<compile_context>
chip_gen: v7x
topology: tpu7x:2x2x1
jax: 0.10.2.dev20260603
libtpu: 0.0.44.dev20260713+nightly
codegen_flags: <defaults>
</compile_context>

<pallas_src>
import functools

import jax
import jax.numpy as jnp
from jax import lax
from jax.experimental import pallas as pl
from jax.experimental.pallas import tpu as pltpu
from jax.experimental.pallas import tpu_sc as plsc


def _sigmoid(x):
    return 0.5 * (1.0 + jnp.tanh(0.5 * x))


def _silu(x):
    hx = 0.5 * x
    return hx * (1.0 + jnp.tanh(hx))


def _sc_center_gather(coords_flat, centers, B, N):
    info = plsc.get_sparse_core_info()
    NC, NS, L = info.num_cores, info.num_subcores, info.num_lanes
    NW = NC * NS
    b_per_w = B // NW

    mesh = plsc.VectorSubcoreMesh(core_axis_name="c", subcore_axis_name="s")

    @functools.partial(
        pl.kernel,
        mesh=mesh,
        out_type=jax.ShapeDtypeStruct((3 * B,), jnp.float32),
        scratch_types=[
            pltpu.VMEM((b_per_w,), jnp.int32),
            pltpu.VMEM((3 * L * N,), jnp.float32),
            pltpu.VMEM((3 * b_per_w,), jnp.float32),
            pltpu.SemaphoreType.DMA,
        ],
        compiler_params=pltpu.CompilerParams(needs_layout_passes=False),
    )
    def k(coords_hbm, centers_hbm, c0_hbm, ctr_v, slab_v, out_v, sem):
        wid = lax.axis_index("s") * NC + lax.axis_index("c")
        base = wid * b_per_w
        pltpu.sync_copy(centers_hbm.at[pl.ds(base, b_per_w)], ctr_v)
        lane = lax.broadcasted_iota(jnp.int32, (L,), 0)
        for chunk in range(b_per_w // L):
            ctr16 = ctr_v[pl.ds(chunk * L, L)]
            for kk in range(3):
                pltpu.sync_copy(
                    coords_hbm.at[
                        pl.ds(kk * B * N + (base + chunk * L) * N, L * N)],
                    slab_v.at[pl.ds(kk * L * N, L * N)])
            for kk in range(3):
                vals = plsc.load_gather(
                    slab_v, [kk * L * N + lane * N + ctr16])
                out_v[pl.ds(kk * b_per_w + chunk * L, L)] = vals
        pltpu.sync_copy(out_v, c0_hbm.at[pl.ds(wid * 3 * b_per_w,
                                               3 * b_per_w)])

    return k(coords_flat, centers)


def _tc_body(x_ref, c_ref, c0_ref, ctr_ref,
             W1_ref, b1_ref, W2_ref, b2_ref,
             We1_ref, be1_ref, We2_ref, be2_ref,
             Wr1_ref, br1_ref, Wr2_ref, br2_ref, o_ref, *, TB, N, E):
    W1t = W1_ref[...]
    b1c = b1_ref[...]
    W2t = W2_ref[...]
    b2c = b2_ref[...]
    lane = lax.broadcasted_iota(jnp.int32, (1, N), 1)
    c0b = c0_ref[0]
    ctrb = ctr_ref[0, 0]

    sq = None
    for k3 in range(3):
        dk = c_ref[k3] - c0b[k3]
        sq = dk * dk if sq is None else sq + dk * dk
    d = jnp.sqrt(jnp.maximum(sq, 1e-12))
    acc = None
    for t in range(E):
        et = _silu(We1_ref[t] * d + be1_ref[t])
        acc = We2_ref[t] * et if acc is None else acc + We2_ref[t] * et
    w = _sigmoid(acc + be2_ref[0])
    wgt = w + (lane == ctrb).astype(jnp.float32)

    msgs = []
    for b in range(TB):
        x = x_ref[:, b, :]
        h = _silu(jnp.dot(W1t, x, preferred_element_type=jnp.float32) + b1c)
        h = _silu(jnp.dot(W2t, h, preferred_element_type=jnp.float32) + b2c)
        msgs.append(jnp.sum(h * wgt[b:b + 1, :], axis=1, keepdims=True))
    msg = jnp.concatenate(msgs, axis=1)
    r = _silu(jnp.dot(Wr1_ref[...], msg, preferred_element_type=jnp.float32)
              + br1_ref[...])
    o_ref[0] = (jnp.dot(Wr2_ref[...], r, preferred_element_type=jnp.float32)
                + br2_ref[...])


def kernel(x_feat, coords, mask, centers, W1, b1, W2, b2,
           We1, be1, We2, be2, Wr1, br1, Wr2, br2):
    del mask
    B, N, F = x_feat.shape
    H = W1.shape[1]
    E = We1.shape[1]

    coords_t = jnp.transpose(coords, (2, 0, 1))
    x_t = jnp.transpose(x_feat, (2, 0, 1))

    c0_flat = _sc_center_gather(coords_t.reshape(3 * B * N), centers, B, N)

    TB = 32
    G = B // TB
    assert TB * 32 == B, "c0_flat worker ordering requires TB == B // 32"
    c0_g = c0_flat.reshape(G, 3, TB, 1)
    ctr_g = centers.reshape(G, 1, TB, 1)

    full = lambda shape: pl.BlockSpec(shape, lambda i: (0,) * len(shape))
    smem = lambda: pl.BlockSpec(memory_space=pltpu.SMEM)
    out_g = pl.pallas_call(
        functools.partial(_tc_body, TB=TB, N=N, E=E),
        grid=(G,),
        in_specs=[
            pl.BlockSpec((F, TB, N), lambda i: (0, i, 0)),
            pl.BlockSpec((3, TB, N), lambda i: (0, i, 0)),
            pl.BlockSpec((1, 3, TB, 1), lambda i: (i, 0, 0, 0)),
            pl.BlockSpec((1, 1, TB, 1), lambda i: (i, 0, 0, 0)),
            full((H, F)), full((H, 1)), full((H, H)), full((H, 1)),
            smem(), smem(), smem(), smem(),
            full((H, H)), full((H, 1)), full((6, H)), full((6, 1)),
        ],
        out_specs=pl.BlockSpec((1, 6, TB), lambda i: (i, 0, 0)),
        out_shape=jax.ShapeDtypeStruct((G, 6, TB), jnp.float32),
        compiler_params=pltpu.CompilerParams(
            dimension_semantics=("parallel",),
        ),
    )(
        x_t, coords_t, c0_g, ctr_g,
        W1.T, b1.reshape(H, 1), W2.T, b2.reshape(H, 1),
        We1.reshape(E), be1, We2.reshape(E), be2,
        Wr1.T, br1.reshape(H, 1), Wr2.T, br2.reshape(6, 1),
    )
    return out_g.transpose(0, 2, 1).reshape(B, 6)

# --- scband reference (transcript-rebuilt; emitter-appended) ---
"""Pipeline reference for scband-star-gnn-58402965291383 (READ-ONLY COPY).

The authoritative reference and input builder live on the scoring server;
editing this copy changes nothing except your own understanding.
"""

import jax, jax.numpy as jnp
import numpy as np

def _silu(x):
    return x * jax.nn.sigmoid(x)

def setup_inputs(seed: int = 0):
    key = jax.random.key(seed)
    ks = jax.random.split(key, 12)
    B, N, H = 1024, 1024, 64
    x_feat = jax.random.normal(ks[0], (B, N, 15), dtype=jnp.float32)
    coords = jax.random.normal(ks[1], (B, N, 3), dtype=jnp.float32)
    mask = jnp.ones((B, N, 1), dtype=jnp.float32)
    centers = jax.random.randint(ks[2], (B,), 0, N, dtype=jnp.int32)
    W1 = 0.1 * jax.random.normal(ks[3], (15, H), dtype=jnp.float32)
    b1 = jnp.zeros((H,), dtype=jnp.float32)
    W2 = 0.1 * jax.random.normal(ks[4], (H, H), dtype=jnp.float32)
    b2 = jnp.zeros((H,), dtype=jnp.float32)
    We1 = 0.1 * jax.random.normal(ks[5], (1, H // 4), dtype=jnp.float32)
    be1 = jnp.zeros((H // 4,), dtype=jnp.float32)
    We2 = 0.1 * jax.random.normal(ks[6], (H // 4, 1), dtype=jnp.float32)
    be2 = jnp.zeros((1,), dtype=jnp.float32)
    Wr1 = 0.1 * jax.random.normal(ks[7], (H, H), dtype=jnp.float32)
    br1 = jnp.zeros((H,), dtype=jnp.float32)
    Wr2 = 0.1 * jax.random.normal(ks[8], (H, 6), dtype=jnp.float32)
    br2 = jnp.zeros((6,), dtype=jnp.float32)
    return {"x_feat": x_feat, "coords": coords, "mask": mask, "centers": centers,
            "W1": W1, "b1": b1, "W2": W2, "b2": b2,
            "We1": We1, "be1": be1, "We2": We2, "be2": be2,
            "Wr1": Wr1, "br1": br1, "Wr2": Wr2, "br2": br2}

def reference(x_feat, coords, mask, centers, W1, b1, W2, b2, We1, be1, We2, be2, Wr1, br1, Wr2, br2):
    B = x_feat.shape[0]
    # node_mlp
    h = _silu(x_feat @ W1 + b1)
    h = _silu(h @ W2 + b2)
    h = h * mask
    rows = jnp.arange(B)
    # gather center coords (B, 3)
    c0 = coords[rows, centers]
    diff = coords - c0[:, None, :]
    sq = jnp.sum(diff * diff, axis=-1, keepdims=True)
    d = jnp.sqrt(jnp.maximum(sq, 1e-12))
    # edge_mlp on distances -> scalar gate in (0,1)
    w = jax.nn.sigmoid(_silu(d @ We1 + be1) @ We2 + be2)
    w = w * mask
    h_center = h[rows, centers]
    msg_sum = jnp.sum(w * h, axis=1) + h_center
    # readout
    out = _silu(msg_sum @ Wr1 + br1) @ Wr2 + br2
    return out

if __name__ == "__main__":
    import jax
    _d = setup_inputs()
    print(jax.jit(kernel)(*tuple(_d.values())))

</pallas_src>

<mosaic_0001>
#map = affine_map<(d0, d1) -> (0)>
module attributes {stable_mosaic.version = 14 : i64} {
  func.func @k(%arg0: i32, %arg1: i32, %arg2: memref<3145728xf32, #tpu.memory_space<hbm>>, %arg3: memref<1024xi32, #tpu.memory_space<hbm>>, %arg4: memref<3072xf32, #tpu.memory_space<hbm>>, %arg5: memref<32xi32, #tpu.memory_space<vmem>>, %arg6: memref<49152xf32, #tpu.memory_space<vmem>>, %arg7: memref<96xf32, #tpu.memory_space<vmem>>, %arg8: memref<!tpu.dma_semaphore, #tpu.memory_space<semaphore_mem>>) attributes {dimension_semantics = [#tpu.dimension_semantics<core_parallel>, #tpu.dimension_semantics<subcore_parallel>], iteration_bounds = array<i64: 2, 16>, scalar_prefetch = 0 : i64, scratch_operands = 4 : i64, tpu.core_type = #tpu.core_type<sc_vector_subcore>, window_params = [{transform_indices = #map}, {transform_indices = #map}, {transform_indices = #map}]} {
    %mul3A = arith.constant 2 : i32
    %mul3A_0 = arith.muli %arg1, %mul3A : i32
    %add3A = arith.addi %mul3A_0, %arg0 : i32
    %mul3A_1 = arith.constant 32 : i32
    %mul3A_2 = arith.muli %add3A, %mul3A_1 : i32
    "tpu.region"() ({
      %run_scoped3A = tpu.sem_alloc : memref<!tpu.dma_semaphore, #tpu.memory_space<semaphore_mem>>
      %dma_start3A = tpu.memref_slice %arg3[%mul3A_2] : memref<1024xi32, #tpu.memory_space<hbm>> -> memref<32xi32, #tpu.memory_space<hbm>>
      %dma_start3A_104 = tpu.memref_slice %arg3[%mul3A_2] : memref<1024xi32, #tpu.memory_space<hbm>> -> memref<32xi32, #tpu.memory_space<hbm>>
      tpu.enqueue_dma source(%dma_start3A_104 : memref<32xi32, #tpu.memory_space<hbm>>) target(%arg5 : memref<32xi32, #tpu.memory_space<vmem>>) target_semaphore(%run_scoped3A : memref<!tpu.dma_semaphore, #tpu.memory_space<semaphore_mem>>)
      %dma_wait3A = tpu.memref_slice %arg3[%mul3A_2] : memref<1024xi32, #tpu.memory_space<hbm>> -> memref<32xi32, #tpu.memory_space<hbm>>
      %dma_wait3A_105 = tpu.memref_slice %arg3[%mul3A_2] : memref<1024xi32, #tpu.memory_space<hbm>> -> memref<32xi32, #tpu.memory_space<hbm>>
      tpu.wait_dma2 semaphore(%run_scoped3A : memref<!tpu.dma_semaphore, #tpu.memory_space<semaphore_mem>>) src(%dma_wait3A_105 : memref<32xi32, #tpu.memory_space<hbm>>) dst(%arg5 : memref<32xi32, #tpu.memory_space<vmem>>)
      tpu.yield
    }) : () -> ()
    %iota3A = tpu.iota {dimensions = array<i32: 0>} : vector<16xi32>
    %get3A = arith.constant 0 : index
    %get3A_3 = tpu.vector_load %arg5[%get3A] {strides = array<i32>} : memref<32xi32, #tpu.memory_space<vmem>>, vector<16xi32>,
    %add3A_4 = arith.constant 0 : i32
    %add3A_5 = arith.addi %mul3A_2, %add3A_4 : i32
    %mul3A_6 = arith.constant 1024 : i32
    %mul3A_7 = arith.muli %add3A_5, %mul3A_6 : i32
    %add3A_8 = arith.constant 0 : i32
    %add3A_9 = arith.addi %add3A_8, %mul3A_7 : i32
    "tpu.region"() ({
      %run_scoped3A = tpu.sem_alloc : memref<!tpu.dma_semaphore, #tpu.memory_space<semaphore_mem>>
      %dma_start3A = arith.constant 0 : i32
      %dma_start3A_104 = tpu.memref_slice %arg6[%dma_start3A] : memref<49152xf32, #tpu.memory_space<vmem>> -> memref<16384xf32, #tpu.memory_space<vmem>>
      %dma_start3A_105 = tpu.memref_slice %arg2[%add3A_9] : memref<3145728xf32, #tpu.memory_space<hbm>> -> memref<16384xf32, #tpu.memory_space<hbm>>
      %dma_start3A_106 = arith.constant 0 : i32
      %dma_start3A_107 = tpu.memref_slice %arg6[%dma_start3A_106] : memref<49152xf32, #tpu.memory_space<vmem>> -> memref<16384xf32, #tpu.memory_space<vmem>>
      %dma_start3A_108 = tpu.memref_slice %arg2[%add3A_9] : memref<3145728xf32, #tpu.memory_space<hbm>> -> memref<16384xf32, #tpu.memory_space<hbm>>
      tpu.enqueue_dma source(%dma_start3A_108 : memref<16384xf32, #tpu.memory_space<hbm>>) target(%dma_start3A_107 : memref<16384xf32, #tpu.memory_space<vmem>>) target_semaphore(%run_scoped3A : memref<!tpu.dma_semaphore, #tpu.memory_space<semaphore_mem>>)
      %dma_wait3A = arith.constant 0 : i32
      %dma_wait3A_109 = tpu.memref_slice %arg6[%dma_wait3A] : memref<49152xf32, #tpu.memory_space<vmem>> -> memref<16384xf32, #tpu.memory_space<vmem>>
      %dma_wait3A_110 = tpu.memref_slice %arg2[%add3A_9] : memref<3145728xf32, #tpu.memory_space<hbm>> -> memref<16384xf32, #tpu.memory_space<hbm>>
      %dma_wait3A_111 = arith.constant 0 : i32
      %dma_wait3A_112 = tpu.memref_slice %arg6[%dma_wait3A_111] : memref<49152xf32, #tpu.memory_space<vmem>> -> memref<16384xf32, #tpu.memory_space<vmem>>
      %dma_wait3A_113 = tpu.memref_slice %arg2[%add3A_9] : memref<3145728xf32, #tpu.memory_space<hbm>> -> memref<16384xf32, #tpu.memory_space<hbm>>
      tpu.wait_dma2 semaphore(%run_scoped3A : memref<!tpu.dma_semaphore, #tpu.memory_space<semaphore_mem>>) src(%dma_wait3A_113 : memref<16384xf32, #tpu.memory_space<hbm>>) dst(%dma_wait3A_112 : memref<16384xf32, #tpu.memory_space<vmem>>)
      tpu.yield
    }) : () -> ()
    %add3A_10 = arith.constant 0 : i32
    %add3A_11 = arith.addi %mul3A_2, %add3A_10 : i32
    %mul3A_12 = arith.constant 1024 : i32
    %mul3A_13 = arith.muli %add3A_11, %mul3A_12 : i32
    %add3A_14 = arith.constant 1048576 : i32
    %add3A_15 = arith.addi %add3A_14, %mul3A_13 : i32
    "tpu.region"() ({
      %run_scoped3A = tpu.sem_alloc : memref<!tpu.dma_semaphore, #tpu.memory_space<semaphore_mem>>
      %dma_start3A = arith.constant 16384 : i32
      %dma_start3A_104 = tpu.memref_slice %arg6[%dma_start3A] : memref<49152xf32, #tpu.memory_space<vmem>> -> memref<16384xf32, #tpu.memory_space<vmem>>
      %dma_start3A_105 = tpu.memref_slice %arg2[%add3A_15] : memref<3145728xf32, #tpu.memory_space<hbm>> -> memref<16384xf32, #tpu.memory_space<hbm>>
      %dma_start3A_106 = arith.constant 16384 : i32
      %dma_start3A_107 = tpu.memref_slice %arg6[%dma_start3A_106] : memref<49152xf32, #tpu.memory_space<vmem>> -> memref<16384xf32, #tpu.memory_space<vmem>>
      %dma_start3A_108 = tpu.memref_slice %arg2[%add3A_15] : memref<3145728xf32, #tpu.memory_space<hbm>> -> memref<16384xf32, #tpu.memory_space<hbm>>
      tpu.enqueue_dma source(%dma_start3A_108 : memref<16384xf32, #tpu.memory_space<hbm>>) target(%dma_start3A_107 : memref<16384xf32, #tpu.memory_space<vmem>>) target_semaphore(%run_scoped3A : memref<!tpu.dma_semaphore, #tpu.memory_space<semaphore_mem>>)
      %dma_wait3A = arith.constant 16384 : i32
      %dma_wait3A_109 = tpu.memref_slice %arg6[%dma_wait3A] : memref<49152xf32, #tpu.memory_space<vmem>> -> memref<16384xf32, #tpu.memory_space<vmem>>
      %dma_wait3A_110 = tpu.memref_slice %arg2[%add3A_15] : memref<3145728xf32, #tpu.memory_space<hbm>> -> memref<16384xf32, #tpu.memory_space<hbm>>
      %dma_wait3A_111 = arith.constant 16384 : i32
      %dma_wait3A_112 = tpu.memref_slice %arg6[%dma_wait3A_111] : memref<49152xf32, #tpu.memory_space<vmem>> -> memref<16384xf32, #tpu.memory_space<vmem>>
      %dma_wait3A_113 = tpu.memref_slice %arg2[%add3A_15] : memref<3145728xf32, #tpu.memory_space<hbm>> -> memref<16384xf32, #tpu.memory_space<hbm>>
      tpu.wait_dma2 semaphore(%run_scoped3A : memref<!tpu.dma_semaphore, #tpu.memory_space<semaphore_mem>>) src(%dma_wait3A_113 : memref<16384xf32, #tpu.memory_space<hbm>>) dst(%dma_wait3A_112 : memref<16384xf32, #tpu.memory_space<vmem>>)
      tpu.yield
    }) : () -> ()
    %add3A_16 = arith.constant 0 : i32
    %add3A_17 = arith.addi %mul3A_2, %add3A_16 : i32
    %mul3A_18 = arith.constant 1024 : i32
    %mul3A_19 = arith.muli %add3A_17, %mul3A_18 : i32
    %add3A_20 = arith.constant 2097152 : i32
    %add3A_21 = arith.addi %add3A_20, %mul3A_19 : i32
    "tpu.region"() ({
      %run_scoped3A = tpu.sem_alloc : memref<!tpu.dma_semaphore, #tpu.memory_space<semaphore_mem>>
      %dma_start3A = arith.constant 32768 : i32
      %dma_start3A_104 = tpu.memref_slice %arg6[%dma_start3A] : memref<49152xf32, #tpu.memory_space<vmem>> -> memref<16384xf32, #tpu.memory_space<vmem>>
      %dma_start3A_105 = tpu.memref_slice %arg2[%add3A_21] : memref<3145728xf32, #tpu.memory_space<hbm>> -> memref<16384xf32, #tpu.memory_space<hbm>>
      %dma_start3A_106 = arith.constant 32768 : i32
      %dma_start3A_107 = tpu.memref_slice %arg6[%dma_start3A_106] : memref<49152xf32, #tpu.memory_space<vmem>> -> memref<16384xf32, #tpu.memory_space<vmem>>
      %dma_start3A_108 = tpu.memref_slice %arg2[%add3A_21] : memref<3145728xf32, #tpu.memory_space<hbm>> -> memref<16384xf32, #tpu.memory_space<hbm>>
      tpu.enqueue_dma source(%dma_start3A_108 : memref<16384xf32, #tpu.memory_space<hbm>>) target(%dma_start3A_107 : memref<16384xf32, #tpu.memory_space<vmem>>) target_semaphore(%run_scoped3A : memref<!tpu.dma_semaphore, #tpu.memory_space<semaphore_mem>>)
      %dma_wait3A = arith.constant 32768 : i32
      %dma_wait3A_109 = tpu.memref_slice %arg6[%dma_wait3A] : memref<49152xf32, #tpu.memory_space<vmem>> -> memref<16384xf32, #tpu.memory_space<vmem>>
      %dma_wait3A_110 = tpu.memref_slice %arg2[%add3A_21] : memref<3145728xf32, #tpu.memory_space<hbm>> -> memref<16384xf32, #tpu.memory_space<hbm>>
      %dma_wait3A_111 = arith.constant 32768 : i32
      %dma_wait3A_112 = tpu.memref_slice %arg6[%dma_wait3A_111] : memref<49152xf32, #tpu.memory_space<vmem>> -> memref<16384xf32, #tpu.memory_space<vmem>>
      %dma_wait3A_113 = tpu.memref_slice %arg2[%add3A_21] : memref<3145728xf32, #tpu.memory_space<hbm>> -> memref<16384xf32, #tpu.memory_space<hbm>>
      tpu.wait_dma2 semaphore(%run_scoped3A : memref<!tpu.dma_semaphore, #tpu.memory_space<semaphore_mem>>) src(%dma_wait3A_113 : memref<16384xf32, #tpu.memory_space<hbm>>) dst(%dma_wait3A_112 : memref<16384xf32, #tpu.memory_space<vmem>>)
      tpu.yield
    }) : () -> ()
    %mul3A_22 = arith.constant 1024 : i32
    %mul3A_23 = vector.broadcast %mul3A_22 : i32 to vector<16xi32>
    %mul3A_24 = arith.muli %iota3A, %mul3A_23 : vector<16xi32>
    %add3A_25 = arith.constant 0 : i32
    %add3A_26 = vector.broadcast %add3A_25 : i32 to vector<16xi32>
    %add3A_27 = arith.addi %add3A_26, %mul3A_24 : vector<16xi32>
    %add3A_28 = arith.addi %add3A_27, %get3A_3 : vector<16xi32>
    %gather3A = tpu.vector_load_idx %arg6[%add3A_28] : memref<49152xf32, #tpu.memory_space<vmem>>[vector<16xi32>], vector<16xf32>,
    %swap3A = arith.constant 0 : index
    %swap3A_29 = tpu.vector_load %arg7[%swap3A] {strides = array<i32>} : memref<96xf32, #tpu.memory_space<vmem>>, vector<16xf32>,
    tpu.vector_store %arg7[%swap3A], %gather3A {strides = array<i32>} : memref<96xf32, #tpu.memory_space<vmem>>, vector<16xf32>,
    %mul3A_30 = arith.constant 1024 : i32
    %mul3A_31 = vector.broadcast %mul3A_30 : i32 to vector<16xi32>
    %mul3A_32 = arith.muli %iota3A, %mul3A_31 : vector<16xi32>
    %add3A_33 = arith.constant 16384 : i32
    %add3A_34 = vector.broadcast %add3A_33 : i32 to vector<16xi32>
    %add3A_35 = arith.addi %add3A_34, %mul3A_32 : vector<16xi32>
    %add3A_36 = arith.addi %add3A_35, %get3A_3 : vector<16xi32>
    %gather3A_37 = tpu.vector_load_idx %arg6[%add3A_36] : memref<49152xf32, #tpu.memory_space<vmem>>[vector<16xi32>], vector<16xf32>,
    %swap3A_38 = arith.constant 32 : index
    %swap3A_39 = tpu.vector_load %arg7[%swap3A_38] {strides = array<i32>} : memref<96xf32, #tpu.memory_space<vmem>>, vector<16xf32>,
    tpu.vector_store %arg7[%swap3A_38], %gather3A_37 {strides = array<i32>} : memref<96xf32, #tpu.memory_space<vmem>>, vector<16xf32>,
    %mul3A_40 = arith.constant 1024 : i32
    %mul3A_41 = vector.broadcast %mul3A_40 : i32 to vector<16xi32>
    %mul3A_42 = arith.muli %iota3A, %mul3A_41 : vector<16xi32>
    %add3A_43 = arith.constant 32768 : i32
    %add3A_44 = vector.broadcast %add3A_43 : i32 to vector<16xi32>
    %add3A_45 = arith.addi %add3A_44, %mul3A_42 : vector<16xi32>
    %add3A_46 = arith.addi %add3A_45, %get3A_3 : vector<16xi32>
    %gather3A_47 = tpu.vector_load_idx %arg6[%add3A_46] : memref<49152xf32, #tpu.memory_space<vmem>>[vector<16xi32>], vector<16xf32>,
    %swap3A_48 = arith.constant 64 : index
    %swap3A_49 = tpu.vector_load %arg7[%swap3A_48] {strides = array<i32>} : memref<96xf32, #tpu.memory_space<vmem>>, vector<16xf32>,
    tpu.vector_store %arg7[%swap3A_48], %gather3A_47 {strides = array<i32>} : memref<96xf32, #tpu.memory_space<vmem>>, vector<16xf32>,
    %get3A_50 = arith.constant 16 : index
    %get3A_51 = tpu.vector_load %arg5[%get3A_50] {strides = array<i32>} : memref<32xi32, #tpu.memory_space<vmem>>, vector<16xi32>,
    %add3A_52 = arith.constant 16 : i32
    %add3A_53 = arith.addi %mul3A_2, %add3A_52 : i32
    %mul3A_54 = arith.constant 1024 : i32
    %mul3A_55 = arith.muli %add3A_53, %mul3A_54 : i32
    %add3A_56 = arith.constant 0 : i32
    %add3A_57 = arith.addi %add3A_56, %mul3A_55 : i32
    "tpu.region"() ({
      %run_scoped3A = tpu.sem_alloc : memref<!tpu.dma_semaphore, #tpu.memory_space<semaphore_mem>>
      %dma_start3A = arith.constant 0 : i32
      %dma_start3A_104 = tpu.memref_slice %arg6[%dma_start3A] : memref<49152xf32, #tpu.memory_space<vmem>> -> memref<16384xf32, #tpu.memory_space<vmem>>
      %dma_start3A_105 = tpu.memref_slice %arg2[%add3A_57] : memref<3145728xf32, #tpu.memory_space<hbm>> -> memref<16384xf32, #tpu.memory_space<hbm>>
      %dma_start3A_106 = arith.constant 0 : i32
      %dma_start3A_107 = tpu.memref_slice %arg6[%dma_start3A_106] : memref<49152xf32, #tpu.memory_space<vmem>> -> memref<16384xf32, #tpu.memory_space<vmem>>
      %dma_start3A_108 = tpu.memref_slice %arg2[%add3A_57] : memref<3145728xf32, #tpu.memory_space<hbm>> -> memref<16384xf32, #tpu.memory_space<hbm>>
      tpu.enqueue_dma source(%dma_start3A_108 : memref<16384xf32, #tpu.memory_space<hbm>>) target(%dma_start3A_107 : memref<16384xf32, #tpu.memory_space<vmem>>) target_semaphore(%run_scoped3A : memref<!tpu.dma_semaphore, #tpu.memory_space<semaphore_mem>>)
      %dma_wait3A = arith.constant 0 : i32
      %dma_wait3A_109 = tpu.memref_slice %arg6[%dma_wait3A] : memref<49152xf32, #tpu.memory_space<vmem>> -> memref<16384xf32, #tpu.memory_space<vmem>>
      %dma_wait3A_110 = tpu.memref_slice %arg2[%add3A_57] : memref<3145728xf32, #tpu.memory_space<hbm>> -> memref<16384xf32, #tpu.memory_space<hbm>>
      %dma_wait3A_111 = arith.constant 0 : i32
      %dma_wait3A_112 = tpu.memref_slice %arg6[%dma_wait3A_111] : memref<49152xf32, #tpu.memory_space<vmem>> -> memref<16384xf32, #tpu.memory_space<vmem>>
      %dma_wait3A_113 = tpu.memref_slice %arg2[%add3A_57] : memref<3145728xf32, #tpu.memory_space<hbm>> -> memref<16384xf32, #tpu.memory_space<hbm>>
      tpu.wait_dma2 semaphore(%run_scoped3A : memref<!tpu.dma_semaphore, #tpu.memory_space<semaphore_mem>>) src(%dma_wait3A_113 : memref<16384xf32, #tpu.memory_space<hbm>>) dst(%dma_wait3A_112 : memref<16384xf32, #tpu.memory_space<vmem>>)
      tpu.yield
    }) : () -> ()
    %add3A_58 = arith.constant 16 : i32
    %add3A_59 = arith.addi %mul3A_2, %add3A_58 : i32
    %mul3A_60 = arith.constant 1024 : i32
    %mul3A_61 = arith.muli %add3A_59, %mul3A_60 : i32
    %add3A_62 = arith.constant 1048576 : i32
    %add3A_63 = arith.addi %add3A_62, %mul3A_61 : i32
    "tpu.region"() ({
      %run_scoped3A = tpu.sem_alloc : memref<!tpu.dma_semaphore, #tpu.memory_space<semaphore_mem>>
      %dma_start3A = arith.constant 16384 : i32
      %dma_start3A_104 = tpu.memref_slice %arg6[%dma_start3A] : memref<49152xf32, #tpu.memory_space<vmem>> -> memref<16384xf32, #tpu.memory_space<vmem>>
      %dma_start3A_105 = tpu.memref_slice %arg2[%add3A_63] : memref<3145728xf32, #tpu.memory_space<hbm>> -> memref<16384xf32, #tpu.memory_space<hbm>>
      %dma_start3A_106 = arith.constant 16384 : i32
      %dma_start3A_107 = tpu.memref_slice %arg6[%dma_start3A_106] : memref<49152xf32, #tpu.memory_space<vmem>> -> memref<16384xf32, #tpu.memory_space<vmem>>
      %dma_start3A_108 = tpu.memref_slice %arg2[%add3A_63] : memref<3145728xf32, #tpu.memory_space<hbm>> -> memref<16384xf32, #tpu.memory_space<hbm>>
      tpu.enqueue_dma source(%dma_start3A_108 : memref<16384xf32, #tpu.memory_space<hbm>>) target(%dma_start3A_107 : memref<16384xf32, #tpu.memory_space<vmem>>) target_semaphore(%run_scoped3A : memref<!tpu.dma_semaphore, #tpu.memory_space<semaphore_mem>>)
      %dma_wait3A = arith.constant 16384 : i32
      %dma_wait3A_109 = tpu.memref_slice %arg6[%dma_wait3A] : memref<49152xf32, #tpu.memory_space<vmem>> -> memref<16384xf32, #tpu.memory_space<vmem>>
      %dma_wait3A_110 = tpu.memref_slice %arg2[%add3A_63] : memref<3145728xf32, #tpu.memory_space<hbm>> -> memref<16384xf32, #tpu.memory_space<hbm>>
      %dma_wait3A_111 = arith.constant 16384 : i32
      %dma_wait3A_112 = tpu.memref_slice %arg6[%dma_wait3A_111] : memref<49152xf32, #tpu.memory_space<vmem>> -> memref<16384xf32, #tpu.memory_space<vmem>>
      %dma_wait3A_113 = tpu.memref_slice %arg2[%add3A_63] : memref<3145728xf32, #tpu.memory_space<hbm>> -> memref<16384xf32, #tpu.memory_space<hbm>>
      tpu.wait_dma2 semaphore(%run_scoped3A : memref<!tpu.dma_semaphore, #tpu.memory_space<semaphore_mem>>) src(%dma_wait3A_113 : memref<16384xf32, #tpu.memory_space<hbm>>) dst(%dma_wait3A_112 : memref<16384xf32, #tpu.memory_space<vmem>>)
      tpu.yield
    }) : () -> ()
    %add3A_64 = arith.constant 16 : i32
    %add3A_65 = arith.addi %mul3A_2, %add3A_64 : i32
    %mul3A_66 = arith.constant 1024 : i32
    %mul3A_67 = arith.muli %add3A_65, %mul3A_66 : i32
    %add3A_68 = arith.constant 2097152 : i32
    %add3A_69 = arith.addi %add3A_68, %mul3A_67 : i32
    "tpu.region"() ({
      %run_scoped3A = tpu.sem_alloc : memref<!tpu.dma_semaphore, #tpu.memory_space<semaphore_mem>>
      %dma_start3A = arith.constant 32768 : i32
      %dma_start3A_104 = tpu.memref_slice %arg6[%dma_start3A] : memref<49152xf32, #tpu.memory_space<vmem>> -> memref<16384xf32, #tpu.memory_space<vmem>>
      %dma_start3A_105 = tpu.memref_slice %arg2[%add3A_69] : memref<3145728xf32, #tpu.memory_space<hbm>> -> memref<16384xf32, #tpu.memory_space<hbm>>
      %dma_start3A_106 = arith.constant 32768 : i32
      %dma_start3A_107 = tpu.memref_slice %arg6[%dma_start3A_106] : memref<49152xf32, #tpu.memory_space<vmem>> -> memref<16384xf32, #tpu.memory_space<vmem>>
      %dma_start3A_108 = tpu.memref_slice %arg2[%add3A_69] : memref<3145728xf32, #tpu.memory_space<hbm>> -> memref<16384xf32, #tpu.memory_space<hbm>>
      tpu.enqueue_dma source(%dma_start3A_108 : memref<16384xf32, #tpu.memory_space<hbm>>) target(%dma_start3A_107 : memref<16384xf32, #tpu.memory_space<vmem>>) target_semaphore(%run_scoped3A : memref<!tpu.dma_semaphore, #tpu.memory_space<semaphore_mem>>)
      %dma_wait3A = arith.constant 32768 : i32
      %dma_wait3A_109 = tpu.memref_slice %arg6[%dma_wait3A] : memref<49152xf32, #tpu.memory_space<vmem>> -> memref<16384xf32, #tpu.memory_space<vmem>>
      %dma_wait3A_110 = tpu.memref_slice %arg2[%add3A_69] : memref<3145728xf32, #tpu.memory_space<hbm>> -> memref<16384xf32, #tpu.memory_space<hbm>>
      %dma_wait3A_111 = arith.constant 32768 : i32
      %dma_wait3A_112 = tpu.memref_slice %arg6[%dma_wait3A_111] : memref<49152xf32, #tpu.memory_space<vmem>> -> memref<16384xf32, #tpu.memory_space<vmem>>
      %dma_wait3A_113 = tpu.memref_slice %arg2[%add3A_69] : memref<3145728xf32, #tpu.memory_space<hbm>> -> memref<16384xf32, #tpu.memory_space<hbm>>
      tpu.wait_dma2 semaphore(%run_scoped3A : memref<!tpu.dma_semaphore, #tpu.memory_space<semaphore_mem>>) src(%dma_wait3A_113 : memref<16384xf32, #tpu.memory_space<hbm>>) dst(%dma_wait3A_112 : memref<16384xf32, #tpu.memory_space<vmem>>)
      tpu.yield
    }) : () -> ()
    %mul3A_70 = arith.constant 1024 : i32
    %mul3A_71 = vector.broadcast %mul3A_70 : i32 to vector<16xi32>
    %mul3A_72 = arith.muli %iota3A, %mul3A_71 : vector<16xi32>
    %add3A_73 = arith.constant 0 : i32
    %add3A_74 = vector.broadcast %add3A_73 : i32 to vector<16xi32>
    %add3A_75 = arith.addi %add3A_74, %mul3A_72 : vector<16xi32>
    %add3A_76 = arith.addi %add3A_75, %get3A_51 : vector<16xi32>
    %gather3A_77 = tpu.vector_load_idx %arg6[%add3A_76] : memref<49152xf32, #tpu.memory_space<vmem>>[vector<16xi32>], vector<16xf32>,
    %swap3A_78 = arith.constant 16 : index
    %swap3A_79 = tpu.vector_load %arg7[%swap3A_78] {strides = array<i32>} : memref<96xf32, #tpu.memory_space<vmem>>, vector<16xf32>,
    tpu.vector_store %arg7[%swap3A_78], %gather3A_77 {strides = array<i32>} : memref<96xf32, #tpu.memory_space<vmem>>, vector<16xf32>,
    %mul3A_80 = arith.constant 1024 : i32
    %mul3A_81 = vector.broadcast %mul3A_80 : i32 to vector<16xi32>
    %mul3A_82 = arith.muli %iota3A, %mul3A_81 : vector<16xi32>
    %add3A_83 = arith.constant 16384 : i32
    %add3A_84 = vector.broadcast %add3A_83 : i32 to vector<16xi32>
    %add3A_85 = arith.addi %add3A_84, %mul3A_82 : vector<16xi32>
    %add3A_86 = arith.addi %add3A_85, %get3A_51 : vector<16xi32>
    %gather3A_87 = tpu.vector_load_idx %arg6[%add3A_86] : memref<49152xf32, #tpu.memory_space<vmem>>[vector<16xi32>], vector<16xf32>,
    %swap3A_88 = arith.constant 48 : index
    %swap3A_89 = tpu.vector_load %arg7[%swap3A_88] {strides = array<i32>} : memref<96xf32, #tpu.memory_space<vmem>>, vector<16xf32>,
    tpu.vector_store %arg7[%swap3A_88], %gather3A_87 {strides = array<i32>} : memref<96xf32, #tpu.memory_space<vmem>>, vector<16xf32>,
    %mul3A_90 = arith.constant 1024 : i32
    %mul3A_91 = vector.broadcast %mul3A_90 : i32 to vector<16xi32>
    %mul3A_92 = arith.muli %iota3A, %mul3A_91 : vector<16xi32>
    %add3A_93 = arith.constant 32768 : i32
    %add3A_94 = vector.broadcast %add3A_93 : i32 to vector<16xi32>
    %add3A_95 = arith.addi %add3A_94, %mul3A_92 : vector<16xi32>
    %add3A_96 = arith.addi %add3A_95, %get3A_51 : vector<16xi32>
    %gather3A_97 = tpu.vector_load_idx %arg6[%add3A_96] : memref<49152xf32, #tpu.memory_space<vmem>>[vector<16xi32>], vector<16xf32>,
    %swap3A_98 = arith.constant 80 : index
    %swap3A_99 = tpu.vector_load %arg7[%swap3A_98] {strides = array<i32>} : memref<96xf32, #tpu.memory_space<vmem>>, vector<16xf32>,
    tpu.vector_store %arg7[%swap3A_98], %gather3A_97 {strides = array<i32>} : memref<96xf32, #tpu.memory_space<vmem>>, vector<16xf32>,
    %mul3A_100 = arith.constant 3 : i32
    %mul3A_101 = arith.muli %add3A, %mul3A_100 : i32
    %mul3A_102 = arith.constant 32 : i32
    %mul3A_103 = arith.muli %mul3A_101, %mul3A_102 : i32
    "tpu.region"() ({
      %run_scoped3A = tpu.sem_alloc : memref<!tpu.dma_semaphore, #tpu.memory_space<semaphore_mem>>
      %dma_start3A = tpu.memref_slice %arg4[%mul3A_103] : memref<3072xf32, #tpu.memory_space<hbm>> -> memref<96xf32, #tpu.memory_space<hbm>>
      %dma_start3A_104 = tpu.memref_slice %arg4[%mul3A_103] : memref<3072xf32, #tpu.memory_space<hbm>> -> memref<96xf32, #tpu.memory_space<hbm>>
      tpu.enqueue_dma source(%arg7 : memref<96xf32, #tpu.memory_space<vmem>>) target(%dma_start3A_104 : memref<96xf32, #tpu.memory_space<hbm>>) target_semaphore(%run_scoped3A : memref<!tpu.dma_semaphore, #tpu.memory_space<semaphore_mem>>)
      %dma_wait3A = tpu.memref_slice %arg4[%mul3A_103] : memref<3072xf32, #tpu.memory_space<hbm>> -> memref<96xf32, #tpu.memory_space<hbm>>
      %dma_wait3A_105 = tpu.memref_slice %arg4[%mul3A_103] : memref<3072xf32, #tpu.memory_space<hbm>> -> memref<96xf32, #tpu.memory_space<hbm>>
      tpu.wait_dma2 semaphore(%run_scoped3A : memref<!tpu.dma_semaphore, #tpu.memory_space<semaphore_mem>>) src(%arg7 : memref<96xf32, #tpu.memory_space<vmem>>) dst(%dma_wait3A_105 : memref<96xf32, #tpu.memory_space<hbm>>)
      tpu.yield
    }) : () -> ()
    return
  }
}

module attributes {stable_mosaic.version = 14 : i64} {
  func.func @_tc_body(%arg0: i32, %arg1: memref<15x32x1024xf32, #tpu.memory_space<vmem>>, %arg2: memref<3x32x1024xf32, #tpu.memory_space<vmem>>, %arg3: memref<1x3x32x1xf32, #tpu.memory_space<vmem>>, %arg4: memref<1x1x32x1xi32, #tpu.memory_space<vmem>>, %arg5: memref<64x15xf32, #tpu.memory_space<vmem>>, %arg6: memref<64x1xf32, #tpu.memory_space<vmem>>, %arg7: memref<64x64xf32, #tpu.memory_space<vmem>>, %arg8: memref<64x1xf32, #tpu.memory_space<vmem>>, %arg9: memref<16xf32, #tpu.memory_space<smem>>, %arg10: memref<16xf32, #tpu.memory_space<smem>>, %arg11: memref<16xf32, #tpu.memory_space<smem>>, %arg12: memref<1xf32, #tpu.memory_space<smem>>, %arg13: memref<64x64xf32, #tpu.memory_space<vmem>>, %arg14: memref<64x1xf32, #tpu.memory_space<vmem>>, %arg15: memref<6x64xf32, #tpu.memory_space<vmem>>, %arg16: memref<6x1xf32, #tpu.memory_space<vmem>>, %arg17: memref<1x6x32xf32, #tpu.memory_space<vmem>>) attributes {dimension_semantics = [#tpu.dimension_semantics<parallel>], iteration_bounds = array<i64: 32>, scalar_prefetch = 0 : i64, scratch_operands = 0 : i64, tpu.core_type = #tpu.core_type<tc>, window_params = [{transform_indices = @transform_0, window_bounds = array<i64: 15, 32, 1024>}, {transform_indices = @transform_1, window_bounds = array<i64: 3, 32, 1024>}, {transform_indices = @transform_2, window_bounds = array<i64: 1, 3, 32, 1>}, {transform_indices = @transform_3, window_bounds = array<i64: 1, 1, 32, 1>}, {pipeline_mode = #tpu.pipeline_mode<synchronous>, transform_indices = @transform_4, window_bounds = array<i64: 64, 15>}, {pipeline_mode = #tpu.pipeline_mode<synchronous>, transform_indices = @transform_5, window_bounds = array<i64: 64, 1>}, {pipeline_mode = #tpu.pipeline_mode<synchronous>, transform_indices = @transform_6, window_bounds = array<i64: 64, 64>}, {pipeline_mode = #tpu.pipeline_mode<synchronous>, transform_indices = @transform_7, window_bounds = array<i64: 64, 1>}, {transform_indices = @transform_8, window_bounds = array<i64: 16>}, {transform_indices = @transform_9, window_bounds = array<i64: 16>}, {transform_indices = @transform_10, window_bounds = array<i64: 16>}, {transform_indices = @transform_11, window_bounds = array<i64: 1>}, {pipeline_mode = #tpu.pipeline_mode<synchronous>, transform_indices = @transform_12, window_bounds = array<i64: 64, 64>}, {pipeline_mode = #tpu.pipeline_mode<synchronous>, transform_indices = @transform_13, window_bounds = array<i64: 64, 1>}, {pipeline_mode = #tpu.pipeline_mode<synchronous>, transform_indices = @transform_14, window_bounds = array<i64: 6, 64>}, {pipeline_mode = #tpu.pipeline_mode<synchronous>, transform_indices = @transform_15, window_bounds = array<i64: 6, 1>}, {transform_indices = @transform_16, window_bounds = array<i64: 1, 6, 32>}]} {
    %get3A = arith.constant 0 : index
    %get3A_0 = arith.constant 0 : index
    %get3A_1 = vector.load %arg5[%get3A, %get3A_0] : memref<64x15xf32, #tpu.memory_space<vmem>>, vector<64x15xf32>
    %get3A_2 = arith.constant 0 : index
    %get3A_3 = arith.constant 0 : index
    %get3A_4 = vector.load %arg6[%get3A_2, %get3A_3] : memref<64x1xf32, #tpu.memory_space<vmem>>, vector<64x1xf32>
    %get3A_5 = arith.constant 0 : index
    %get3A_6 = arith.constant 0 : index
    %get3A_7 = vector.load %arg7[%get3A_5, %get3A_6] : memref<64x64xf32, #tpu.memory_space<vmem>>, vector<64x64xf32>
    %get3A_8 = arith.constant 0 : index
    %get3A_9 = arith.constant 0 : index
    %get3A_10 = vector.load %arg8[%get3A_8, %get3A_9] : memref<64x1xf32, #tpu.memory_space<vmem>>, vector<64x1xf32>
    %iota3A = tpu.iota {dimensions = array<i32: 1>} : vector<1x1024xi32>
    %get3A_11 = arith.constant 0 : index
    %get3A_12 = arith.constant 0 : index
    %get3A_13 = arith.constant 0 : index
    %get3A_14 = arith.constant 0 : index
    %get3A_15 = vector.load %arg3[%get3A_11, %get3A_12, %get3A_13, %get3A_14] : memref<1x3x32x1xf32, #tpu.memory_space<vmem>>, vector<1x3x32x1xf32>
    %get3A_16 = vector.shape_cast %get3A_15 : vector<1x3x32x1xf32> to vector<3x32x1xf32>
    %get3A_17 = arith.constant 0 : index
    %get3A_18 = arith.constant 0 : index
    %get3A_19 = arith.constant 0 : index
    %get3A_20 = arith.constant 0 : index
    %get3A_21 = vector.load %arg4[%get3A_17, %get3A_18, %get3A_19, %get3A_20] : memref<1x1x32x1xi32, #tpu.memory_space<vmem>>, vector<1x1x32x1xi32>
    %get3A_22 = vector.shape_cast %get3A_21 : vector<1x1x32x1xi32> to vector<32x1xi32>
    %get3A_23 = arith.constant 0 : index
    %get3A_24 = arith.constant 0 : index
    %get3A_25 = arith.constant 0 : index
    %get3A_26 = vector.load %arg2[%get3A_23, %get3A_24, %get3A_25] : memref<3x32x1024xf32, #tpu.memory_space<vmem>>, vector<1x32x1024xf32>
    %get3A_27 = vector.shape_cast %get3A_26 : vector<1x32x1024xf32> to vector<32x1024xf32>
    %slice3A = vector.extract_strided_slice %get3A_16 {offsets = [0, 0, 0], sizes = [1, 32, 1], strides = [1, 1, 1]} : vector<3x32x1xf32> to vector<1x32x1xf32>
    %squeeze3A = vector.shape_cast %slice3A : vector<1x32x1xf32> to vector<32x1xf32>
    %sub3A = vector.broadcast %squeeze3A : vector<32x1xf32> to vector<32x1024xf32>
    %sub3A_28 = arith.subf %get3A_27, %sub3A : vector<32x1024xf32>
    %mul3A = arith.mulf %sub3A_28, %sub3A_28 : vector<32x1024xf32>
    %get3A_29 = arith.constant 1 : index
    %get3A_30 = arith.constant 0 : index
    %get3A_31 = arith.constant 0 : index
    %get3A_32 = vector.load %arg2[%get3A_29, %get3A_30, %get3A_31] : memref<3x32x1024xf32, #tpu.memory_space<vmem>>, vector<1x32x1024xf32>
    %get3A_33 = vector.shape_cast %get3A_32 : vector<1x32x1024xf32> to vector<32x1024xf32>
    %slice3A_34 = vector.extract_strided_slice %get3A_16 {offsets = [1, 0, 0], sizes = [1, 32, 1], strides = [1, 1, 1]} : vector<3x32x1xf32> to vector<1x32x1xf32>
    %squeeze3A_35 = vector.shape_cast %slice3A_34 : vector<1x32x1xf32> to vector<32x1xf32>
    %sub3A_36 = vector.broadcast %squeeze3A_35 : vector<32x1xf32> to vector<32x1024xf32>
    %sub3A_37 = arith.subf %get3A_33, %sub3A_36 : vector<32x1024xf32>
    %mul3A_38 = arith.mulf %sub3A_37, %sub3A_37 : vector<32x1024xf32>
    %add3A = arith.addf %mul3A, %mul3A_38 : vector<32x1024xf32>
    %get3A_39 = arith.constant 2 : index
    %get3A_40 = arith.constant 0 : index
    %get3A_41 = arith.constant 0 : index
    %get3A_42 = vector.load %arg2[%get3A_39, %get3A_40, %get3A_41] : memref<3x32x1024xf32, #tpu.memory_space<vmem>>, vector<1x32x1024xf32>
    %get3A_43 = vector.shape_cast %get3A_42 : vector<1x32x1024xf32> to vector<32x1024xf32>
    %slice3A_44 = vector.extract_strided_slice %get3A_16 {offsets = [2, 0, 0], sizes = [1, 32, 1], strides = [1, 1, 1]} : vector<3x32x1xf32> to vector<1x32x1xf32>
    %squeeze3A_45 = vector.shape_cast %slice3A_44 : vector<1x32x1xf32> to vector<32x1xf32>
    %sub3A_46 = vector.broadcast %squeeze3A_45 : vector<32x1xf32> to vector<32x1024xf32>
    %sub3A_47 = arith.subf %get3A_43, %sub3A_46 : vector<32x1024xf32>
    %mul3A_48 = arith.mulf %sub3A_47, %sub3A_47 : vector<32x1024xf32>
    %add3A_49 = arith.addf %add3A, %mul3A_48 : vector<32x1024xf32>
    %max3A = arith.constant 9.99999996E-13 : f32
    %max3A_50 = vector.broadcast %max3A : f32 to vector<32x1024xf32>
    %max3A_51 = arith.maximumf %add3A_49, %max3A_50 : vector<32x1024xf32>
    %sqrt3A = math.sqrt %max3A_51 : vector<32x1024xf32>
    %get3A_52 = arith.constant 0 : index
    %get3A_53 = memref.load %arg9[%get3A_52] : memref<16xf32, #tpu.memory_space<smem>>
    %mul3A_54 = vector.broadcast %get3A_53 : f32 to vector<32x1024xf32>
    %mul3A_55 = arith.mulf %mul3A_54, %sqrt3A : vector<32x1024xf32>
    %get3A_56 = arith.constant 0 : index
    %get3A_57 = memref.load %arg10[%get3A_56] : memref<16xf32, #tpu.memory_space<smem>>
    %add3A_58 = vector.broadcast %get3A_57 : f32 to vector<32x1024xf32>
    %add3A_59 = arith.addf %mul3A_55, %add3A_58 : vector<32x1024xf32>
    %logistic3A = arith.negf %add3A_59 : vector<32x1024xf32>
    %logistic3A_60 = math.exp %logistic3A : vector<32x1024xf32>
    %logistic3A_61 = arith.constant 1.000000e+00 : f32
    %logistic3A_62 = vector.broadcast %logistic3A_61 : f32 to vector<32x1024xf32>
    %logistic3A_63 = arith.addf %logistic3A_62, %logistic3A_60 : vector<32x1024xf32>
    %logistic3A_64 = arith.divf %logistic3A_62, %logistic3A_63 : vector<32x1024xf32>
    %mul3A_65 = arith.mulf %add3A_59, %logistic3A_64 : vector<32x1024xf32>
    %get3A_66 = arith.constant 0 : index
    %get3A_67 = memref.load %arg11[%get3A_66] : memref<16xf32, #tpu.memory_space<smem>>
    %mul3A_68 = vector.broadcast %get3A_67 : f32 to vector<32x1024xf32>
    %mul3A_69 = arith.mulf %mul3A_68, %mul3A_65 : vector<32x1024xf32>
    %get3A_70 = arith.constant 1 : index
    %get3A_71 = memref.load %arg9[%get3A_70] : memref<16xf32, #tpu.memory_space<smem>>
    %mul3A_72 = vector.broadcast %get3A_71 : f32 to vector<32x1024xf32>
    %mul3A_73 = arith.mulf %mul3A_72, %sqrt3A : vector<32x1024xf32>
    %get3A_74 = arith.constant 1 : index
    %get3A_75 = memref.load %arg10[%get3A_74] : memref<16xf32, #tpu.memory_space<smem>>
    %add3A_76 = vector.broadcast %get3A_75 : f32 to vector<32x1024xf32>
    %add3A_77 = arith.addf %mul3A_73, %add3A_76 : vector<32x1024xf32>
    %logistic3A_78 = arith.negf %add3A_77 : vector<32x1024xf32>
    %logistic3A_79 = math.exp %logistic3A_78 : vector<32x1024xf32>
    %logistic3A_80 = arith.constant 1.000000e+00 : f32
    %logistic3A_81 = vector.broadcast %logistic3A_80 : f32 to vector<32x1024xf32>
    %logistic3A_82 = arith.addf %logistic3A_81, %logistic3A_79 : vector<32x1024xf32>
    %logistic3A_83 = arith.divf %logistic3A_81, %logistic3A_82 : vector<32x1024xf32>
    %mul3A_84 = arith.mulf %add3A_77, %logistic3A_83 : vector<32x1024xf32>
    %get3A_85 = arith.constant 1 : index
    %get3A_86 = memref.load %arg11[%get3A_85] : memref<16xf32, #tpu.memory_space<smem>>
    %mul3A_87 = vector.broadcast %get3A_86 : f32 to vector<32x1024xf32>
    %mul3A_88 = arith.mulf %mul3A_87, %mul3A_84 : vector<32x1024xf32>
    %add3A_89 = arith.addf %mul3A_69, %mul3A_88 : vector<32x1024xf32>
    %get3A_90 = arith.constant 2 : index
    %get3A_91 = memref.load %arg9[%get3A_90] : memref<16xf32, #tpu.memory_space<smem>>
    %mul3A_92 = vector.broadcast %get3A_91 : f32 to vector<32x1024xf32>
    %mul3A_93 = arith.mulf %mul3A_92, %sqrt3A : vector<32x1024xf32>
    %get3A_94 = arith.constant 2 : index
    %get3A_95 = memref.load %arg10[%get3A_94] : memref<16xf32, #tpu.memory_space<smem>>
    %add3A_96 = vector.broadcast %get3A_95 : f32 to vector<32x1024xf32>
    %add3A_97 = arith.addf %mul3A_93, %add3A_96 : vector<32x1024xf32>
    %logistic3A_98 = arith.negf %add3A_97 : vector<32x1024xf32>
    %logistic3A_99 = math.exp %logistic3A_98 : vector<32x1024xf32>
    %logistic3A_100 = arith.constant 1.000000e+00 : f32
    %logistic3A_101 = vector.broadcast %logistic3A_100 : f32 to vector<32x1024xf32>
    %logistic3A_102 = arith.addf %logistic3A_101, %logistic3A_99 : vector<32x1024xf32>
    %logistic3A_103 = arith.divf %logistic3A_101, %logistic3A_102 : vector<32x1024xf32>
    %mul3A_104 = arith.mulf %add3A_97, %logistic3A_103 : vector<32x1024xf32>
    %get3A_105 = arith.constant 2 : index
    %get3A_106 = memref.load %arg11[%get3A_105] : memref<16xf32, #tpu.memory_space<smem>>
    %mul3A_107 = vector.broadcast %get3A_106 : f32 to vector<32x1024xf32>
    %mul3A_108 = arith.mulf %mul3A_107, %mul3A_104 : vector<32x1024xf32>
    %add3A_109 = arith.addf %add3A_89, %mul3A_108 : vector<32x1024xf32>
    %get3A_110 = arith.constant 3 : index
    %get3A_111 = memref.load %arg9[%get3A_110] : memref<16xf32, #tpu.memory_space<smem>>
    %mul3A_112 = vector.broadcast %get3A_111 : f32 to vector<32x1024xf32>
    %mul3A_113 = arith.mulf %mul3A_112, %sqrt3A : vector<32x1024xf32>
    %get3A_114 = arith.constant 3 : index
    %get3A_115 = memref.load %arg10[%get3A_114] : memref<16xf32, #tpu.memory_space<smem>>
    %add3A_116 = vector.broadcast %get3A_115 : f32 to vector<32x1024xf32>
    %add3A_117 = arith.addf %mul3A_113, %add3A_116 : vector<32x1024xf32>
    %logistic3A_118 = arith.negf %add3A_117 : vector<32x1024xf32>
    %logistic3A_119 = math.exp %logistic3A_118 : vector<32x1024xf32>
    %logistic3A_120 = arith.constant 1.000000e+00 : f32
    %logistic3A_121 = vector.broadcast %logistic3A_120 : f32 to vector<32x1024xf32>
    %logistic3A_122 = arith.addf %logistic3A_121, %logistic3A_119 : vector<32x1024xf32>
    %logistic3A_123 = arith.divf %logistic3A_121, %logistic3A_122 : vector<32x1024xf32>
    %mul3A_124 = arith.mulf %add3A_117, %logistic3A_123 : vector<32x1024xf32>
    %get3A_125 = arith.constant 3 : index
    %get3A_126 = memref.load %arg11[%get3A_125] : memref<16xf32, #tpu.memory_space<smem>>
    %mul3A_127 = vector.broadcast %get3A_126 : f32 to vector<32x1024xf32>
    %mul3A_128 = arith.mulf %mul3A_127, %mul3A_124 : vector<32x1024xf32>
    %add3A_129 = arith.addf %add3A_109, %mul3A_128 : vector<32x1024xf32>
    %get3A_130 = arith.constant 4 : index
    %get3A_131 = memref.load %arg9[%get3A_130] : memref<16xf32, #tpu.memory_space<smem>>
    %mul3A_132 = vector.broadcast %get3A_131 : f32 to vector<32x1024xf32>
    %mul3A_133 = arith.mulf %mul3A_132, %sqrt3A : vector<32x1024xf32>
    %get3A_134 = arith.constant 4 : index
    %get3A_135 = memref.load %arg10[%get3A_134] : memref<16xf32, #tpu.memory_space<smem>>
    %add3A_136 = vector.broadcast %get3A_135 : f32 to vector<32x1024xf32>
    %add3A_137 = arith.addf %mul3A_133, %add3A_136 : vector<32x1024xf32>
    %logistic3A_138 = arith.negf %add3A_137 : vector<32x1024xf32>
    %logistic3A_139 = math.exp %logistic3A_138 : vector<32x1024xf32>
    %logistic3A_140 = arith.constant 1.000000e+00 : f32
    %logistic3A_141 = vector.broadcast %logistic3A_140 : f32 to vector<32x1024xf32>
    %logistic3A_142 = arith.addf %logistic3A_141, %logistic3A_139 : vector<32x1024xf32>
    %logistic3A_143 = arith.divf %logistic3A_141, %logistic3A_142 : vector<32x1024xf32>
    %mul3A_144 = arith.mulf %add3A_137, %logistic3A_143 : vector<32x1024xf32>
    %get3A_145 = arith.constant 4 : index
    %get3A_146 = memref.load %arg11[%get3A_145] : memref<16xf32, #tpu.memory_space<smem>>
    %mul3A_147 = vector.broadcast %get3A_146 : f32 to vector<32x1024xf32>
    %mul3A_148 = arith.mulf %mul3A_147, %mul3A_144 : vector<32x1024xf32>
    %add3A_149 = arith.addf %add3A_129, %mul3A_148 : vector<32x1024xf32>
    %get3A_150 = arith.constant 5 : index
    %get3A_151 = memref.load %arg9[%get3A_150] : memref<16xf32, #tpu.memory_space<smem>>
    %mul3A_152 = vector.broadcast %get3A_151 : f32 to vector<32x1024xf32>
    %mul3A_153 = arith.mulf %mul3A_152, %sqrt3A : vector<32x1024xf32>
    %get3A_154 = arith.constant 5 : index
    %get3A_155 = memref.load %arg10[%get3A_154] : memref<16xf32, #tpu.memory_space<smem>>
    %add3A_156 = vector.broadcast %get3A_155 : f32 to vector<32x1024xf32>
    %add3A_157 = arith.addf %mul3A_153, %add3A_156 : vector<32x1024xf32>
    %logistic3A_158 = arith.negf %add3A_157 : vector<32x1024xf32>
    %logistic3A_159 = math.exp %logistic3A_158 : vector<32x1024xf32>
    %logistic3A_160 = arith.constant 1.000000e+00 : f32
    %logistic3A_161 = vector.broadcast %logistic3A_160 : f32 to vector<32x1024xf32>
    %logistic3A_162 = arith.addf %logistic3A_161, %logistic3A_159 : vector<32x1024xf32>
    %logistic3A_163 = arith.divf %logistic3A_161, %logistic3A_162 : vector<32x1024xf32>
    %mul3A_164 = arith.mulf %add3A_157, %logistic3A_163 : vector<32x1024xf32>
    %get3A_165 = arith.constant 5 : index
    %get3A_166 = memref.load %arg11[%get3A_165] : memref<16xf32, #tpu.memory_space<smem>>
    %mul3A_167 = vector.broadcast %get3A_166 : f32 to vector<32x1024xf32>
    %mul3A_168 = arith.mulf %mul3A_167, %mul3A_164 : vector<32x1024xf32>
    %add3A_169 = arith.addf %add3A_149, %mul3A_168 : vector<32x1024xf32>
    %get3A_170 = arith.constant 6 : index
    %get3A_171 = memref.load %arg9[%get3A_170] : memref<16xf32, #tpu.memory_space<smem>>
    %mul3A_172 = vector.broadcast %get3A_171 : f32 to vector<32x1024xf32>
    %mul3A_173 = arith.mulf %mul3A_172, %sqrt3A : vector<32x1024xf32>
    %get3A_174 = arith.constant 6 : index
    %get3A_175 = memref.load %arg10[%get3A_174] : memref<16xf32, #tpu.memory_space<smem>>
    %add3A_176 = vector.broadcast %get3A_175 : f32 to vector<32x1024xf32>
    %add3A_177 = arith.addf %mul3A_173, %add3A_176 : vector<32x1024xf32>
    %logistic3A_178 = arith.negf %add3A_177 : vector<32x1024xf32>
    %logistic3A_179 = math.exp %logistic3A_178 : vector<32x1024xf32>
    %logistic3A_180 = arith.constant 1.000000e+00 : f32
    %logistic3A_181 = vector.broadcast %logistic3A_180 : f32 to vector<32x1024xf32>
    %logistic3A_182 = arith.addf %logistic3A_181, %logistic3A_179 : vector<32x1024xf32>
    %logistic3A_183 = arith.divf %logistic3A_181, %logistic3A_182 : vector<32x1024xf32>
    %mul3A_184 = arith.mulf %add3A_177, %logistic3A_183 : vector<32x1024xf32>
    %get3A_185 = arith.constant 6 : index
    %get3A_186 = memref.load %arg11[%get3A_185] : memref<16xf32, #tpu.memory_space<smem>>
    %mul3A_187 = vector.broadcast %get3A_186 : f32 to vector<32x1024xf32>
    %mul3A_188 = arith.mulf %mul3A_187, %mul3A_184 : vector<32x1024xf32>
    %add3A_189 = arith.addf %add3A_169, %mul3A_188 : vector<32x1024xf32>
    %get3A_190 = arith.constant 7 : index
    %get3A_191 = memref.load %arg9[%get3A_190] : memref<16xf32, #tpu.memory_space<smem>>
    %mul3A_192 = vector.broadcast %get3A_191 : f32 to vector<32x1024xf32>
    %mul3A_193 = arith.mulf %mul3A_192, %sqrt3A : vector<32x1024xf32>
    %get3A_194 = arith.constant 7 : index
    %get3A_195 = memref.load %arg10[%get3A_194] : memref<16xf32, #tpu.memory_space<smem>>
    %add3A_196 = vector.broadcast %get3A_195 : f32 to vector<32x1024xf32>
    %add3A_197 = arith.addf %mul3A_193, %add3A_196 : vector<32x1024xf32>
    %logistic3A_198 = arith.negf %add3A_197 : vector<32x1024xf32>
    %logistic3A_199 = math.exp %logistic3A_198 : vector<32x1024xf32>
    %logistic3A_200 = arith.constant 1.000000e+00 : f32
    %logistic3A_201 = vector.broadcast %logistic3A_200 : f32 to vector<32x1024xf32>
    %logistic3A_202 = arith.addf %logistic3A_201, %logistic3A_199 : vector<32x1024xf32>
    %logistic3A_203 = arith.divf %logistic3A_201, %logistic3A_202 : vector<32x1024xf32>
    %mul3A_204 = arith.mulf %add3A_197, %logistic3A_203 : vector<32x1024xf32>
    %get3A_205 = arith.constant 7 : index
    %get3A_206 = memref.load %arg11[%get3A_205] : memref<16xf32, #tpu.memory_space<smem>>
    %mul3A_207 = vector.broadcast %get3A_206 : f32 to vector<32x1024xf32>
    %mul3A_208 = arith.mulf %mul3A_207, %mul3A_204 : vector<32x1024xf32>
    %add3A_209 = arith.addf %add3A_189, %mul3A_208 : vector<32x1024xf32>
    %get3A_210 = arith.constant 8 : index
    %get3A_211 = memref.load %arg9[%get3A_210] : memref<16xf32, #tpu.memory_space<smem>>
    %mul3A_212 = vector.broadcast %get3A_211 : f32 to vector<32x1024xf32>
    %mul3A_213 = arith.mulf %mul3A_212, %sqrt3A : vector<32x1024xf32>
    %get3A_214 = arith.constant 8 : index
    %get3A_215 = memref.load %arg10[%get3A_214] : memref<16xf32, #tpu.memory_space<smem>>
    %add3A_216 = vector.broadcast %get3A_215 : f32 to vector<32x1024xf32>
    %add3A_217 = arith.addf %mul3A_213, %add3A_216 : vector<32x1024xf32>
    %logistic3A_218 = arith.negf %add3A_217 : vector<32x1024xf32>
    %logistic3A_219 = math.exp %logistic3A_218 : vector<32x1024xf32>
    %logistic3A_220 = arith.constant 1.000000e+00 : f32
    %logistic3A_221 = vector.broadcast %logistic3A_220 : f32 to vector<32x1024xf32>
    %logistic3A_222 = arith.addf %logistic3A_221, %logistic3A_219 : vector<32x1024xf32>
    %logistic3A_223 = arith.divf %logistic3A_221, %logistic3A_222 : vector<32x1024xf32>
    %mul3A_224 = arith.mulf %add3A_217, %logistic3A_223 : vector<32x1024xf32>
    %get3A_225 = arith.constant 8 : index
    %get3A_226 = memref.load %arg11[%get3A_225] : memref<16xf32, #tpu.memory_space<smem>>
    %mul3A_227 = vector.broadcast %get3A_226 : f32 to vector<32x1024xf32>
    %mul3A_228 = arith.mulf %mul3A_227, %mul3A_224 : vector<32x1024xf32>
    %add3A_229 = arith.addf %add3A_209, %mul3A_228 : vector<32x1024xf32>
    %get3A_230 = arith.constant 9 : index
    %get3A_231 = memref.load %arg9[%get3A_230] : memref<16xf32, #tpu.memory_space<smem>>
    %mul3A_232 = vector.broadcast %get3A_231 : f32 to vector<32x1024xf32>
    %mul3A_233 = arith.mulf %mul3A_232, %sqrt3A : vector<32x1024xf32>
    %get3A_234 = arith.constant 9 : index
    %get3A_235 = memref.load %arg10[%get3A_234] : memref<16xf32, #tpu.memory_space<smem>>
    %add3A_236 = vector.broadcast %get3A_235 : f32 to vector<32x1024xf32>
    %add3A_237 = arith.addf %mul3A_233, %add3A_236 : vector<32x1024xf32>
    %logistic3A_238 = arith.negf %add3A_237 : vector<32x1024xf32>
    %logistic3A_239 = math.exp %logistic3A_238 : vector<32x1024xf32>
    %logistic3A_240 = arith.constant 1.000000e+00 : f32
    %logistic3A_241 = vector.broadcast %logistic3A_240 : f32 to vector<32x1024xf32>
    %logistic3A_242 = arith.addf %logistic3A_241, %logistic3A_239 : vector<32x1024xf32>
    %logistic3A_243 = arith.divf %logistic3A_241, %logistic3A_242 : vector<32x1024xf32>
    %mul3A_244 = arith.mulf %add3A_237, %logistic3A_243 : vector<32x1024xf32>
    %get3A_245 = arith.constant 9 : index
    %get3A_246 = memref.load %arg11[%get3A_245] : memref<16xf32, #tpu.memory_space<smem>>
    %mul3A_247 = vector.broadcast %get3A_246 : f32 to vector<32x1024xf32>
    %mul3A_248 = arith.mulf %mul3A_247, %mul3A_244 : vector<32x1024xf32>
    %add3A_249 = arith.addf %add3A_229, %mul3A_248 : vector<32x1024xf32>
    %get3A_250 = arith.constant 10 : index
    %get3A_251 = memref.load %arg9[%get3A_250] : memref<16xf32, #tpu.memory_space<smem>>
    %mul3A_252 = vector.broadcast %get3A_251 : f32 to vector<32x1024xf32>
    %mul3A_253 = arith.mulf %mul3A_252, %sqrt3A : vector<32x1024xf32>
    %get3A_254 = arith.constant 10 : index
    %get3A_255 = memref.load %arg10[%get3A_254] : memref<16xf32, #tpu.memory_space<smem>>
    %add3A_256 = vector.broadcast %get3A_255 : f32 to vector<32x1024xf32>
    %add3A_257 = arith.addf %mul3A_253, %add3A_256 : vector<32x1024xf32>
    %logistic3A_258 = arith.negf %add3A_257 : vector<32x1024xf32>
    %logistic3A_259 = math.exp %logistic3A_258 : vector<32x1024xf32>
    %logistic3A_260 = arith.constant 1.000000e+00 : f32
    %logistic3A_261 = vector.broadcast %logistic3A_260 : f32 to vector<32x1024xf32>
    %logistic3A_262 = arith.addf %logistic3A_261, %logistic3A_259 : vector<32x1024xf32>
    %logistic3A_263 = arith.divf %logistic3A_261, %logistic3A_262 : vector<32x1024xf32>
    %mul3A_264 = arith.mulf %add3A_257, %logistic3A_263 : vector<32x1024xf32>
    %get3A_265 = arith.constant 10 : index
    %get3A_266 = memref.load %arg11[%get3A_265] : memref<16xf32, #tpu.memory_space<smem>>
    %mul3A_267 = vector.broadcast %get3A_266 : f32 to vector<32x1024xf32>
    %mul3A_268 = arith.mulf %mul3A_267, %mul3A_264 : vector<32x1024xf32>
    %add3A_269 = arith.addf %add3A_249, %mul3A_268 : vector<32x1024xf32>
    %get3A_270 = arith.constant 11 : index
    %get3A_271 = memref.load %arg9[%get3A_270] : memref<16xf32, #tpu.memory_space<smem>>
    %mul3A_272 = vector.broadcast %get3A_271 : f32 to vector<32x1024xf32>
    %mul3A_273 = arith.mulf %mul3A_272, %sqrt3A : vector<32x1024xf32>
    %get3A_274 = arith.constant 11 : index
    %get3A_275 = memref.load %arg10[%get3A_274] : memref<16xf32, #tpu.memory_space<smem>>
    %add3A_276 = vector.broadcast %get3A_275 : f32 to vector<32x1024xf32>
    %add3A_277 = arith.addf %mul3A_273, %add3A_276 : vector<32x1024xf32>
    %logistic3A_278 = arith.negf %add3A_277 : vector<32x1024xf32>
    %logistic3A_279 = math.exp %logistic3A_278 : vector<32x1024xf32>
    %logistic3A_280 = arith.constant 1.000000e+00 : f32
    %logistic3A_281 = vector.broadcast %logistic3A_280 : f32 to vector<32x1024xf32>
    %logistic3A_282 = arith.addf %logistic3A_281, %logistic3A_279 : vector<32x1024xf32>
    %logistic3A_283 = arith.divf %logistic3A_281, %logistic3A_282 : vector<32x1024xf32>
    %mul3A_284 = arith.mulf %add3A_277, %logistic3A_283 : vector<32x1024xf32>
    %get3A_285 = arith.constant 11 : index
    %get3A_286 = memref.load %arg11[%get3A_285] : memref<16xf32, #tpu.memory_space<smem>>
    %mul3A_287 = vector.broadcast %get3A_286 : f32 to vector<32x1024xf32>
    %mul3A_288 = arith.mulf %mul3A_287, %mul3A_284 : vector<32x1024xf32>
    %add3A_289 = arith.addf %add3A_269, %mul3A_288 : vector<32x1024xf32>
    %get3A_290 = arith.constant 12 : index
    %get3A_291 = memref.load %arg9[%get3A_290] : memref<16xf32, #tpu.memory_space<smem>>
    %mul3A_292 = vector.broadcast %get3A_291 : f32 to vector<32x1024xf32>
    %mul3A_293 = arith.mulf %mul3A_292, %sqrt3A : vector<32x1024xf32>
    %get3A_294 = arith.constant 12 : index
    %get3A_295 = memref.load %arg10[%get3A_294] : memref<16xf32, #tpu.memory_space<smem>>
    %add3A_296 = vector.broadcast %get3A_295 : f32 to vector<32x1024xf32>
    %add3A_297 = arith.addf %mul3A_293, %add3A_296 : vector<32x1024xf32>
    %logistic3A_298 = arith.negf %add3A_297 : vector<32x1024xf32>
    %logistic3A_299 = math.exp %logistic3A_298 : vector<32x1024xf32>
    %logistic3A_300 = arith.constant 1.000000e+00 : f32
    %logistic3A_301 = vector.broadcast %logistic3A_300 : f32 to vector<32x1024xf32>
    %logistic3A_302 = arith.addf %logistic3A_301, %logistic3A_299 : vector<32x1024xf32>
    %logistic3A_303 = arith.divf %logistic3A_301, %logistic3A_302 : vector<32x1024xf32>
    %mul3A_304 = arith.mulf %add3A_297, %logistic3A_303 : vector<32x1024xf32>
    %get3A_305 = arith.constant 12 : index
    %get3A_306 = memref.load %arg11[%get3A_305] : memref<16xf32, #tpu.memory_space<smem>>
    %mul3A_307 = vector.broadcast %get3A_306 : f32 to vector<32x1024xf32>
    %mul3A_308 = arith.mulf %mul3A_307, %mul3A_304 : vector<32x1024xf32>
    %add3A_309 = arith.addf %add3A_289, %mul3A_308 : vector<32x1024xf32>
    %get3A_310 = arith.constant 13 : index
    %get3A_311 = memref.load %arg9[%get3A_310] : memref<16xf32, #tpu.memory_space<smem>>
    %mul3A_312 = vector.broadcast %get3A_311 : f32 to vector<32x1024xf32>
    %mul3A_313 = arith.mulf %mul3A_312, %sqrt3A : vector<32x1024xf32>
    %get3A_314 = arith.constant 13 : index
    %get3A_315 = memref.load %arg10[%get3A_314] : memref<16xf32, #tpu.memory_space<smem>>
    %add3A_316 = vector.broadcast %get3A_315 : f32 to vector<32x1024xf32>
    %add3A_317 = arith.addf %mul3A_313, %add3A_316 : vector<32x1024xf32>
    %logistic3A_318 = arith.negf %add3A_317 : vector<32x1024xf32>
    %logistic3A_319 = math.exp %logistic3A_318 : vector<32x1024xf32>
    %logistic3A_320 = arith.constant 1.000000e+00 : f32
    %logistic3A_321 = vector.broadcast %logistic3A_320 : f32 to vector<32x1024xf32>
    %logistic3A_322 = arith.addf %logistic3A_321, %logistic3A_319 : vector<32x1024xf32>
    %logistic3A_323 = arith.divf %logistic3A_321, %logistic3A_322 : vector<32x1024xf32>
    %mul3A_324 = arith.mulf %add3A_317, %logistic3A_323 : vector<32x1024xf32>
    %get3A_325 = arith.constant 13 : index
    %get3A_326 = memref.load %arg11[%get3A_325] : memref<16xf32, #tpu.memory_space<smem>>
    %mul3A_327 = vector.broadcast %get3A_326 : f32 to vector<32x1024xf32>
    %mul3A_328 = arith.mulf %mul3A_327, %mul3A_324 : vector<32x1024xf32>
    %add3A_329 = arith.addf %add3A_309, %mul3A_328 : vector<32x1024xf32>
    %get3A_330 = arith.constant 14 : index
    %get3A_331 = memref.load %arg9[%get3A_330] : memref<16xf32, #tpu.memory_space<smem>>
    %mul3A_332 = vector.broadcast %get3A_331 : f32 to vector<32x1024xf32>
    %mul3A_333 = arith.mulf %mul3A_332, %sqrt3A : vector<32x1024xf32>
    %get3A_334 = arith.constant 14 : index
    %get3A_335 = memref.load %arg10[%get3A_334] : memref<16xf32, #tpu.memory_space<smem>>
    %add3A_336 = vector.broadcast %get3A_335 : f32 to vector<32x1024xf32>
    %add3A_337 = arith.addf %mul3A_333, %add3A_336 : vector<32x1024xf32>
    %logistic3A_338 = arith.negf %add3A_337 : vector<32x1024xf32>
    %logistic3A_339 = math.exp %logistic3A_338 : vector<32x1024xf32>
    %logistic3A_340 = arith.constant 1.000000e+00 : f32
    %logistic3A_341 = vector.broadcast %logistic3A_340 : f32 to vector<32x1024xf32>
    %logistic3A_342 = arith.addf %logistic3A_341, %logistic3A_339 : vector<32x1024xf32>
    %logistic3A_343 = arith.divf %logistic3A_341, %logistic3A_342 : vector<32x1024xf32>
    %mul3A_344 = arith.mulf %add3A_337, %logistic3A_343 : vector<32x1024xf32>
    %get3A_345 = arith.constant 14 : index
    %get3A_346 = memref.load %arg11[%get3A_345] : memref<16xf32, #tpu.memory_space<smem>>
    %mul3A_347 = vector.broadcast %get3A_346 : f32 to vector<32x1024xf32>
    %mul3A_348 = arith.mulf %mul3A_347, %mul3A_344 : vector<32x1024xf32>
    %add3A_349 = arith.addf %add3A_329, %mul3A_348 : vector<32x1024xf32>
    %get3A_350 = arith.constant 15 : index
    %get3A_351 = memref.load %arg9[%get3A_350] : memref<16xf32, #tpu.memory_space<smem>>
    %mul3A_352 = vector.broadcast %get3A_351 : f32 to vector<32x1024xf32>
    %mul3A_353 = arith.mulf %mul3A_352, %sqrt3A : vector<32x1024xf32>
    %get3A_354 = arith.constant 15 : index
    %get3A_355 = memref.load %arg10[%get3A_354] : memref<16xf32, #tpu.memory_space<smem>>
    %add3A_356 = vector.broadcast %get3A_355 : f32 to vector<32x1024xf32>
    %add3A_357 = arith.addf %mul3A_353, %add3A_356 : vector<32x1024xf32>
    %logistic3A_358 = arith.negf %add3A_357 : vector<32x1024xf32>
    %logistic3A_359 = math.exp %logistic3A_358 : vector<32x1024xf32>
    %logistic3A_360 = arith.constant 1.000000e+00 : f32
    %logistic3A_361 = vector.broadcast %logistic3A_360 : f32 to vector<32x1024xf32>
    %logistic3A_362 = arith.addf %logistic3A_361, %logistic3A_359 : vector<32x1024xf32>
    %logistic3A_363 = arith.divf %logistic3A_361, %logistic3A_362 : vector<32x1024xf32>
    %mul3A_364 = arith.mulf %add3A_357, %logistic3A_363 : vector<32x1024xf32>
    %get3A_365 = arith.constant 15 : index
    %get3A_366 = memref.load %arg11[%get3A_365] : memref<16xf32, #tpu.memory_space<smem>>
    %mul3A_367 = vector.broadcast %get3A_366 : f32 to vector<32x1024xf32>
    %mul3A_368 = arith.mulf %mul3A_367, %mul3A_364 : vector<32x1024xf32>
    %add3A_369 = arith.addf %add3A_349, %mul3A_368 : vector<32x1024xf32>
    %get3A_370 = arith.constant 0 : index
    %get3A_371 = memref.load %arg12[%get3A_370] : memref<1xf32, #tpu.memory_space<smem>>
    %add3A_372 = vector.broadcast %get3A_371 : f32 to vector<32x1024xf32>
    %add3A_373 = arith.addf %add3A_369, %add3A_372 : vector<32x1024xf32>
    %mul3A_374 = arith.constant 5.000000e-01 : f32
    %mul3A_375 = vector.broadcast %mul3A_374 : f32 to vector<32x1024xf32>
    %mul3A_376 = arith.mulf %mul3A_375, %add3A_373 : vector<32x1024xf32>
    %tanh3A = math.tanh %mul3A_376 : vector<32x1024xf32>
    %add3A_377 = arith.constant 1.000000e+00 : f32
    %add3A_378 = vector.broadcast %add3A_377 : f32 to vector<32x1024xf32>
    %add3A_379 = arith.addf %add3A_378, %tanh3A : vector<32x1024xf32>
    %mul3A_380 = arith.constant 5.000000e-01 : f32
    %mul3A_381 = vector.broadcast %mul3A_380 : f32 to vector<32x1024xf32>
    %mul3A_382 = arith.mulf %mul3A_381, %add3A_379 : vector<32x1024xf32>
    %eq3A = vector.broadcast %iota3A : vector<1x1024xi32> to vector<32x1024xi32>
    %eq3A_383 = vector.broadcast %get3A_22 : vector<32x1xi32> to vector<32x1024xi32>
    %eq3A_384 = arith.cmpi eq, %eq3A, %eq3A_383 : vector<32x1024xi32>
    %convert_element_type3A = arith.extui %eq3A_384 : vector<32x1024xi1> to vector<32x1024xi32>
    %convert_element_type3A_385 = arith.sitofp %convert_element_type3A : vector<32x1024xi32> to vector<32x1024xf32>
    %add3A_386 = arith.addf %mul3A_382, %convert_element_type3A_385 : vector<32x1024xf32>
    %get3A_387 = arith.constant 0 : index
    %get3A_388 = arith.constant 0 : index
    %get3A_389 = arith.constant 0 : index
    %get3A_390 = vector.load %arg1[%get3A_387, %get3A_388, %get3A_389] : memref<15x32x1024xf32, #tpu.memory_space<vmem>>, vector<15x1x1024xf32>
    %get3A_391 = vector.shape_cast %get3A_390 : vector<15x1x1024xf32> to vector<15x1024xf32>
    %dot_general3A = arith.constant dense<0.000000e+00> : vector<64x1024xf32>
    %dot_general3A_392 = tpu.matmul %get3A_1, %get3A_391, %dot_general3A {dimension_numbers = #tpu.dot_dimension_numbers<[1], [0], [0], [1], [0, 0, 1, 1], [], []>, transpose_lhs_hint = false} : vector<64x15xf32>, vector<15x1024xf32>, vector<64x1024xf32> -> vector<64x1024xf32>
    %add3A_393 = vector.broadcast %get3A_4 : vector<64x1xf32> to vector<64x1024xf32>
    %add3A_394 = arith.addf %dot_general3A_392, %add3A_393 : vector<64x1024xf32>
    %logistic3A_395 = arith.negf %add3A_394 : vector<64x1024xf32>
    %logistic3A_396 = math.exp %logistic3A_395 : vector<64x1024xf32>
    %logistic3A_397 = arith.constant 1.000000e+00 : f32
    %logistic3A_398 = vector.broadcast %logistic3A_397 : f32 to vector<64x1024xf32>
    %logistic3A_399 = arith.addf %logistic3A_398, %logistic3A_396 : vector<64x1024xf32>
    %logistic3A_400 = arith.divf %logistic3A_398, %logistic3A_399 : vector<64x1024xf32>
    %mul3A_401 = arith.mulf %add3A_394, %logistic3A_400 : vector<64x1024xf32>
    %dot_general3A_402 = arith.constant dense<0.000000e+00> : vector<64x1024xf32>
    %dot_general3A_403 = tpu.matmul %get3A_7, %mul3A_401, %dot_general3A_402 {dimension_numbers = #tpu.dot_dimension_numbers<[1], [0], [0], [1], [0, 0, 1, 1], [], []>, transpose_lhs_hint = false} : vector<64x64xf32>, vector<64x1024xf32>, vector<64x1024xf32> -> vector<64x1024xf32>
    %add3A_404 = vector.broadcast %get3A_10 : vector<64x1xf32> to vector<64x1024xf32>
    %add3A_405 = arith.addf %dot_general3A_403, %add3A_404 : vector<64x1024xf32>
    %logistic3A_406 = arith.negf %add3A_405 : vector<64x1024xf32>
    %logistic3A_407 = math.exp %logistic3A_406 : vector<64x1024xf32>
    %logistic3A_408 = arith.constant 1.000000e+00 : f32
    %logistic3A_409 = vector.broadcast %logistic3A_408 : f32 to vector<64x1024xf32>
    %logistic3A_410 = arith.addf %logistic3A_409, %logistic3A_407 : vector<64x1024xf32>
    %logistic3A_411 = arith.divf %logistic3A_409, %logistic3A_410 : vector<64x1024xf32>
    %mul3A_412 = arith.mulf %add3A_405, %logistic3A_411 : vector<64x1024xf32>
    %slice3A_413 = vector.extract_strided_slice %add3A_386 {offsets = [0, 0], sizes = [1, 1024], strides = [1, 1]} : vector<32x1024xf32> to vector<1x1024xf32>
    %mul3A_414 = vector.broadcast %slice3A_413 : vector<1x1024xf32> to vector<64x1024xf32>
    %mul3A_415 = arith.mulf %mul3A_412, %mul3A_414 : vector<64x1024xf32>
    %reduce_sum3A = arith.constant dense<0.000000e+00> : vector<64xf32>
    %reduce_sum3A_416 = vector.multi_reduction <add>, %mul3A_415, %reduce_sum3A [1] : vector<64x1024xf32> to vector<64xf32>
    %broadcast_in_dim3A = vector.shape_cast %reduce_sum3A_416 : vector<64xf32> to vector<64x1xf32>
    %get3A_417 = arith.constant 0 : index
    %get3A_418 = arith.constant 1 : index
    %get3A_419 = arith.constant 0 : index
    %get3A_420 = vector.load %arg1[%get3A_417, %get3A_418, %get3A_419] : memref<15x32x1024xf32, #tpu.memory_space<vmem>>, vector<15x1x1024xf32>
    %get3A_421 = vector.shape_cast %get3A_420 : vector<15x1x1024xf32> to vector<15x1024xf32>
    %dot_general3A_422 = arith.constant dense<0.000000e+00> : vector<64x1024xf32>
    %dot_general3A_423 = tpu.matmul %get3A_1, %get3A_421, %dot_general3A_422 {dimension_numbers = #tpu.dot_dimension_numbers<[1], [0], [0], [1], [0, 0, 1, 1], [], []>, transpose_lhs_hint = false} : vector<64x15xf32>, vector<15x1024xf32>, vector<64x1024xf32> -> vector<64x1024xf32>
    %add3A_424 = vector.broadcast %get3A_4 : vector<64x1xf32> to vector<64x1024xf32>
    %add3A_425 = arith.addf %dot_general3A_423, %add3A_424 : vector<64x1024xf32>
    %logistic3A_426 = arith.negf %add3A_425 : vector<64x1024xf32>
    %logistic3A_427 = math.exp %logistic3A_426 : vector<64x1024xf32>
    %logistic3A_428 = arith.constant 1.000000e+00 : f32
    %logistic3A_429 = vector.broadcast %logistic3A_428 : f32 to vector<64x1024xf32>
    %logistic3A_430 = arith.addf %logistic3A_429, %logistic3A_427 : vector<64x1024xf32>
    %logistic3A_431 = arith.divf %logistic3A_429, %logistic3A_430 : vector<64x1024xf32>
    %mul3A_432 = arith.mulf %add3A_425, %logistic3A_431 : vector<64x1024xf32>
    %dot_general3A_433 = arith.constant dense<0.000000e+00> : vector<64x1024xf32>
    %dot_general3A_434 = tpu.matmul %get3A_7, %mul3A_432, %dot_general3A_433 {dimension_numbers = #tpu.dot_dimension_numbers<[1], [0], [0], [1], [0, 0, 1, 1], [], []>, transpose_lhs_hint = false} : vector<64x64xf32>, vector<64x1024xf32>, vector<64x1024xf32> -> vector<64x1024xf32>
    %add3A_435 = vector.broadcast %get3A_10 : vector<64x1xf32> to vector<64x1024xf32>
    %add3A_436 = arith.addf %dot_general3A_434, %add3A_435 : vector<64x1024xf32>
    %logistic3A_437 = arith.negf %add3A_436 : vector<64x1024xf32>
    %logistic3A_438 = math.exp %logistic3A_437 : vector<64x1024xf32>
    %logistic3A_439 = arith.constant 1.000000e+00 : f32
    %logistic3A_440 = vector.broadcast %logistic3A_439 : f32 to vector<64x1024xf32>
    %logistic3A_441 = arith.addf %logistic3A_440, %logistic3A_438 : vector<64x1024xf32>
    %logistic3A_442 = arith.divf %logistic3A_440, %logistic3A_441 : vector<64x1024xf32>
    %mul3A_443 = arith.mulf %add3A_436, %logistic3A_442 : vector<64x1024xf32>
    %slice3A_444 = vector.extract_strided_slice %add3A_386 {offsets = [1, 0], sizes = [1, 1024], strides = [1, 1]} : vector<32x1024xf32> to vector<1x1024xf32>
    %mul3A_445 = vector.broadcast %slice3A_444 : vector<1x1024xf32> to vector<64x1024xf32>
    %mul3A_446 = arith.mulf %mul3A_443, %mul3A_445 : vector<64x1024xf32>
    %reduce_sum3A_447 = arith.constant dense<0.000000e+00> : vector<64xf32>
    %reduce_sum3A_448 = vector.multi_reduction <add>, %mul3A_446, %reduce_sum3A_447 [1] : vector<64x1024xf32> to vector<64xf32>
    %broadcast_in_dim3A_449 = vector.shape_cast %reduce_sum3A_448 : vector<64xf32> to vector<64x1xf32>
    %get3A_450 = arith.constant 0 : index
    %get3A_451 = arith.constant 2 : index
    %get3A_452 = arith.constant 0 : index
    %get3A_453 = vector.load %arg1[%get3A_450, %get3A_451, %get3A_452] : memref<15x32x1024xf32, #tpu.memory_space<vmem>>, vector<15x1x1024xf32>
    %get3A_454 = vector.shape_cast %get3A_453 : vector<15x1x1024xf32> to vector<15x1024xf32>
    %dot_general3A_455 = arith.constant dense<0.000000e+00> : vector<64x1024xf32>
    %dot_general3A_456 = tpu.matmul %get3A_1, %get3A_454, %dot_general3A_455 {dimension_numbers = #tpu.dot_dimension_numbers<[1], [0], [0], [1], [0, 0, 1, 1], [], []>, transpose_lhs_hint = false} : vector<64x15xf32>, vector<15x1024xf32>, vector<64x1024xf32> -> vector<64x1024xf32>
    %add3A_457 = vector.broadcast %get3A_4 : vector<64x1xf32> to vector<64x1024xf32>
    %add3A_458 = arith.addf %dot_general3A_456, %add3A_457 : vector<64x1024xf32>
    %logistic3A_459 = arith.negf %add3A_458 : vector<64x1024xf32>
    %logistic3A_460 = math.exp %logistic3A_459 : vector<64x1024xf32>
    %logistic3A_461 = arith.constant 1.000000e+00 : f32
    %logistic3A_462 = vector.broadcast %logistic3A_461 : f32 to vector<64x1024xf32>
    %logistic3A_463 = arith.addf %logistic3A_462, %logistic3A_460 : vector<64x1024xf32>
    %logistic3A_464 = arith.divf %logistic3A_462, %logistic3A_463 : vector<64x1024xf32>
    %mul3A_465 = arith.mulf %add3A_458, %logistic3A_464 : vector<64x1024xf32>
    %dot_general3A_466 = arith.constant dense<0.000000e+00> : vector<64x1024xf32>
    %dot_general3A_467 = tpu.matmul %get3A_7, %mul3A_465, %dot_general3A_466 {dimension_numbers = #tpu.dot_dimension_numbers<[1], [0], [0], [1], [0, 0, 1, 1], [], []>, transpose_lhs_hint = false} : vector<64x64xf32>, vector<64x1024xf32>, vector<64x1024xf32> -> vector<64x1024xf32>
    %add3A_468 = vector.broadcast %get3A_10 : vector<64x1xf32> to vector<64x1024xf32>
    %add3A_469 = arith.addf %dot_general3A_467, %add3A_468 : vector<64x1024xf32>
    %logistic3A_470 = arith.negf %add3A_469 : vector<64x1024xf32>
    %logistic3A_471 = math.exp %logistic3A_470 : vector<64x1024xf32>
    %logistic3A_472 = arith.constant 1.000000e+00 : f32
    %logistic3A_473 = vector.broadcast %logistic3A_472 : f32 to vector<64x1024xf32>
    %logistic3A_474 = arith.addf %logistic3A_473, %logistic3A_471 : vector<64x1024xf32>
    %logistic3A_475 = arith.divf %logistic3A_473, %logistic3A_474 : vector<64x1024xf32>
    %mul3A_476 = arith.mulf %add3A_469, %logistic3A_475 : vector<64x1024xf32>
    %slice3A_477 = vector.extract_strided_slice %add3A_386 {offsets = [2, 0], sizes = [1, 1024], strides = [1, 1]} : vector<32x1024xf32> to vector<1x1024xf32>
    %mul3A_478 = vector.broadcast %slice3A_477 : vector<1x1024xf32> to vector<64x1024xf32>
    %mul3A_479 = arith.mulf %mul3A_476, %mul3A_478 : vector<64x1024xf32>
    %reduce_sum3A_480 = arith.constant dense<0.000000e+00> : vector<64xf32>
    %reduce_sum3A_481 = vector.multi_reduction <add>, %mul3A_479, %reduce_sum3A_480 [1] : vector<64x1024xf32> to vector<64xf32>
    %broadcast_in_dim3A_482 = vector.shape_cast %reduce_sum3A_481 : vector<64xf32> to vector<64x1xf32>
    %get3A_483 = arith.constant 0 : index
    %get3A_484 = arith.constant 3 : index
    %get3A_485 = arith.constant 0 : index
    %get3A_486 = vector.load %arg1[%get3A_483, %get3A_484, %get3A_485] : memref<15x32x1024xf32, #tpu.memory_space<vmem>>, vector<15x1x1024xf32>
    %get3A_487 = vector.shape_cast %get3A_486 : vector<15x1x1024xf32> to vector<15x1024xf32>
    %dot_general3A_488 = arith.constant dense<0.000000e+00> : vector<64x1024xf32>
    %dot_general3A_489 = tpu.matmul %get3A_1, %get3A_487, %dot_general3A_488 {dimension_numbers = #tpu.dot_dimension_numbers<[1], [0], [0], [1], [0, 0, 1, 1], [], []>, transpose_lhs_hint = false} : vector<64x15xf32>, vector<15x1024xf32>, vector<64x1024xf32> -> vector<64x1024xf32>
    %add3A_490 = vector.broadcast %get3A_4 : vector<64x1xf32> to vector<64x1024xf32>
    %add3A_491 = arith.addf %dot_general3A_489, %add3A_490 : vector<64x1024xf32>
    %logistic3A_492 = arith.negf %add3A_491 : vector<64x1024xf32>
    %logistic3A_493 = math.exp %logistic3A_492 : vector<64x1024xf32>
    %logistic3A_494 = arith.constant 1.000000e+00 : f32
    %logistic3A_495 = vector.broadcast %logistic3A_494 : f32 to vector<64x1024xf32>
    %logistic3A_496 = arith.addf %logistic3A_495, %logistic3A_493 : vector<64x1024xf32>
    %logistic3A_497 = arith.divf %logistic3A_495, %logistic3A_496 : vector<64x1024xf32>
    %mul3A_498 = arith.mulf %add3A_491, %logistic3A_497 : vector<64x1024xf32>
    %dot_general3A_499 = arith.constant dense<0.000000e+00> : vector<64x1024xf32>
    %dot_general3A_500 = tpu.matmul %get3A_7, %mul3A_498, %dot_general3A_499 {dimension_numbers = #tpu.dot_dimension_numbers<[1], [0], [0], [1], [0, 0, 1, 1], [], []>, transpose_lhs_hint = false} : vector<64x64xf32>, vector<64x1024xf32>, vector<64x1024xf32> -> vector<64x1024xf32>
    %add3A_501 = vector.broadcast %get3A_10 : vector<64x1xf32> to vector<64x1024xf32>
    %add3A_502 = arith.addf %dot_general3A_500, %add3A_501 : vector<64x1024xf32>
    %logistic3A_503 = arith.negf %add3A_502 : vector<64x1024xf32>
    %logistic3A_504 = math.exp %logistic3A_503 : vector<64x1024xf32>
    %logistic3A_505 = arith.constant 1.000000e+00 : f32
    %logistic3A_506 = vector.broadcast %logistic3A_505 : f32 to vector<64x1024xf32>
    %logistic3A_507 = arith.addf %logistic3A_506, %logistic3A_504 : vector<64x1024xf32>
    %logistic3A_508 = arith.divf %logistic3A_506, %logistic3A_507 : vector<64x1024xf32>
    %mul3A_509 = arith.mulf %add3A_502, %logistic3A_508 : vector<64x1024xf32>
    %slice3A_510 = vector.extract_strided_slice %add3A_386 {offsets = [3, 0], sizes = [1, 1024], strides = [1, 1]} : vector<32x1024xf32> to vector<1x1024xf32>
    %mul3A_511 = vector.broadcast %slice3A_510 : vector<1x1024xf32> to vector<64x1024xf32>
    %mul3A_512 = arith.mulf %mul3A_509, %mul3A_511 : vector<64x1024xf32>
    %reduce_sum3A_513 = arith.constant dense<0.000000e+00> : vector<64xf32>
    %reduce_sum3A_514 = vector.multi_reduction <add>, %mul3A_512, %reduce_sum3A_513 [1] : vector<64x1024xf32> to vector<64xf32>
    %broadcast_in_dim3A_515 = vector.shape_cast %reduce_sum3A_514 : vector<64xf32> to vector<64x1xf32>
    %get3A_516 = arith.constant 0 : index
    %get3A_517 = arith.constant 4 : index
    %get3A_518 = arith.constant 0 : index
    %get3A_519 = vector.load %arg1[%get3A_516, %get3A_517, %get3A_518] : memref<15x32x1024xf32, #tpu.memory_space<vmem>>, vector<15x1x1024xf32>
    %get3A_520 = vector.shape_cast %get3A_519 : vector<15x1x1024xf32> to vector<15x1024xf32>
    %dot_general3A_521 = arith.constant dense<0.000000e+00> : vector<64x1024xf32>
    %dot_general3A_522 = tpu.matmul %get3A_1, %get3A_520, %dot_general3A_521 {dimension_numbers = #tpu.dot_dimension_numbers<[1], [0], [0], [1], [0, 0, 1, 1], [], []>, transpose_lhs_hint = false} : vector<64x15xf32>, vector<15x1024xf32>, vector<64x1024xf32> -> vector<64x1024xf32>
    %add3A_523 = vector.broadcast %get3A_4 : vector<64x1xf32> to vector<64x1024xf32>
    %add3A_524 = arith.addf %dot_general3A_522, %add3A_523 : vector<64x1024xf32>
    %logistic3A_525 = arith.negf %add3A_524 : vector<64x1024xf32>
    %logistic3A_526 = math.exp %logistic3A_525 : vector<64x1024xf32>
    %logistic3A_527 = arith.constant 1.000000e+00 : f32
    %logistic3A_528 = vector.broadcast %logistic3A_527 : f32 to vector<64x1024xf32>
    %logistic3A_529 = arith.addf %logistic3A_528, %logistic3A_526 : vector<64x1024xf32>
    %logistic3A_530 = arith.divf %logistic3A_528, %logistic3A_529 : vector<64x1024xf32>
    %mul3A_531 = arith.mulf %add3A_524, %logistic3A_530 : vector<64x1024xf32>
    %dot_general3A_532 = arith.constant dense<0.000000e+00> : vector<64x1024xf32>
    %dot_general3A_533 = tpu.matmul %get3A_7, %mul3A_531, %dot_general3A_532 {dimension_numbers = #tpu.dot_dimension_numbers<[1], [0], [0], [1], [0, 0, 1, 1], [], []>, transpose_lhs_hint = false} : vector<64x64xf32>, vector<64x1024xf32>, vector<64x1024xf32> -> vector<64x1024xf32>
    %add3A_534 = vector.broadcast %get3A_10 : vector<64x1xf32> to vector<64x1024xf32>
    %add3A_535 = arith.addf %dot_general3A_533, %add3A_534 : vector<64x1024xf32>
    %logistic3A_536 = arith.negf %add3A_535 : vector<64x1024xf32>
    %logistic3A_537 = math.exp %logistic3A_536 : vector<64x1024xf32>
    %logistic3A_538 = arith.constant 1.000000e+00 : f32
    %logistic3A_539 = vector.broadcast %logistic3A_538 : f32 to vector<64x1024xf32>
    %logistic3A_540 = arith.addf %logistic3A_539, %logistic3A_537 : vector<64x1024xf32>
    %logistic3A_541 = arith.divf %logistic3A_539, %logistic3A_540 : vector<64x1024xf32>
    %mul3A_542 = arith.mulf %add3A_535, %logistic3A_541 : vector<64x1024xf32>
    %slice3A_543 = vector.extract_strided_slice %add3A_386 {offsets = [4, 0], sizes = [1, 1024], strides = [1, 1]} : vector<32x1024xf32> to vector<1x1024xf32>
    %mul3A_544 = vector.broadcast %slice3A_543 : vector<1x1024xf32> to vector<64x1024xf32>
    %mul3A_545 = arith.mulf %mul3A_542, %mul3A_544 : vector<64x1024xf32>
    %reduce_sum3A_546 = arith.constant dense<0.000000e+00> : vector<64xf32>
    %reduce_sum3A_547 = vector.multi_reduction <add>, %mul3A_545, %reduce_sum3A_546 [1] : vector<64x1024xf32> to vector<64xf32>
    %broadcast_in_dim3A_548 = vector.shape_cast %reduce_sum3A_547 : vector<64xf32> to vector<64x1xf32>
    %get3A_549 = arith.constant 0 : index
    %get3A_550 = arith.constant 5 : index
    %get3A_551 = arith.constant 0 : index
    %get3A_552 = vector.load %arg1[%get3A_549, %get3A_550, %get3A_551] : memref<15x32x1024xf32, #tpu.memory_space<vmem>>, vector<15x1x1024xf32>
    %get3A_553 = vector.shape_cast %get3A_552 : vector<15x1x1024xf32> to vector<15x1024xf32>
    %dot_general3A_554 = arith.constant dense<0.000000e+00> : vector<64x1024xf32>
    %dot_general3A_555 = tpu.matmul %get3A_1, %get3A_553, %dot_general3A_554 {dimension_numbers = #tpu.dot_dimension_numbers<[1], [0], [0], [1], [0, 0, 1, 1], [], []>, transpose_lhs_hint = false} : vector<64x15xf32>, vector<15x1024xf32>, vector<64x1024xf32> -> vector<64x1024xf32>
    %add3A_556 = vector.broadcast %get3A_4 : vector<64x1xf32> to vector<64x1024xf32>
    %add3A_557 = arith.addf %dot_general3A_555, %add3A_556 : vector<64x1024xf32>
    %logistic3A_558 = arith.negf %add3A_557 : vector<64x1024xf32>
    %logistic3A_559 = math.exp %logistic3A_558 : vector<64x1024xf32>
    %logistic3A_560 = arith.constant 1.000000e+00 : f32
    %logistic3A_561 = vector.broadcast %logistic3A_560 : f32 to vector<64x1024xf32>
    %logistic3A_562 = arith.addf %logistic3A_561, %logistic3A_559 : vector<64x1024xf32>
    %logistic3A_563 = arith.divf %logistic3A_561, %logistic3A_562 : vector<64x1024xf32>
    %mul3A_564 = arith.mulf %add3A_557, %logistic3A_563 : vector<64x1024xf32>
    %dot_general3A_565 = arith.constant dense<0.000000e+00> : vector<64x1024xf32>
    %dot_general3A_566 = tpu.matmul %get3A_7, %mul3A_564, %dot_general3A_565 {dimension_numbers = #tpu.dot_dimension_numbers<[1], [0], [0], [1], [0, 0, 1, 1], [], []>, transpose_lhs_hint = false} : vector<64x64xf32>, vector<64x1024xf32>, vector<64x1024xf32> -> vector<64x1024xf32>
    %add3A_567 = vector.broadcast %get3A_10 : vector<64x1xf32> to vector<64x1024xf32>
    %add3A_568 = arith.addf %dot_general3A_566, %add3A_567 : vector<64x1024xf32>
    %logistic3A_569 = arith.negf %add3A_568 : vector<64x1024xf32>
    %logistic3A_570 = math.exp %logistic3A_569 : vector<64x1024xf32>
    %logistic3A_571 = arith.constant 1.000000e+00 : f32
    %logistic3A_572 = vector.broadcast %logistic3A_571 : f32 to vector<64x1024xf32>
    %logistic3A_573 = arith.addf %logistic3A_572, %logistic3A_570 : vector<64x1024xf32>
    %logistic3A_574 = arith.divf %logistic3A_572, %logistic3A_573 : vector<64x1024xf32>
    %mul3A_575 = arith.mulf %add3A_568, %logistic3A_574 : vector<64x1024xf32>
    %slice3A_576 = vector.extract_strided_slice %add3A_386 {offsets = [5, 0], sizes = [1, 1024], strides = [1, 1]} : vector<32x1024xf32> to vector<1x1024xf32>
    %mul3A_577 = vector.broadcast %slice3A_576 : vector<1x1024xf32> to vector<64x1024xf32>
    %mul3A_578 = arith.mulf %mul3A_575, %mul3A_577 : vector<64x1024xf32>
    %reduce_sum3A_579 = arith.constant dense<0.000000e+00> : vector<64xf32>
    %reduce_sum3A_580 = vector.multi_reduction <add>, %mul3A_578, %reduce_sum3A_579 [1] : vector<64x1024xf32> to vector<64xf32>
    %broadcast_in_dim3A_581 = vector.shape_cast %reduce_sum3A_580 : vector<64xf32> to vector<64x1xf32>
    %get3A_582 = arith.constant 0 : index
    %get3A_583 = arith.constant 6 : index
    %get3A_584 = arith.constant 0 : index
    %get3A_585 = vector.load %arg1[%get3A_582, %get3A_583, %get3A_584] : memref<15x32x1024xf32, #tpu.memory_space<vmem>>, vector<15x1x1024xf32>
    %get3A_586 = vector.shape_cast %get3A_585 : vector<15x1x1024xf32> to vector<15x1024xf32>
    %dot_general3A_587 = arith.constant dense<0.000000e+00> : vector<64x1024xf32>
    %dot_general3A_588 = tpu.matmul %get3A_1, %get3A_586, %dot_general3A_587 {dimension_numbers = #tpu.dot_dimension_numbers<[1], [0], [0], [1], [0, 0, 1, 1], [], []>, transpose_lhs_hint = false} : vector<64x15xf32>, vector<15x1024xf32>, vector<64x1024xf32> -> vector<64x1024xf32>
    %add3A_589 = vector.broadcast %get3A_4 : vector<64x1xf32> to vector<64x1024xf32>
    %add3A_590 = arith.addf %dot_general3A_588, %add3A_589 : vector<64x1024xf32>
    %logistic3A_591 = arith.negf %add3A_590 : vector<64x1024xf32>
    %logistic3A_592 = math.exp %logistic3A_591 : vector<64x1024xf32>
    %logistic3A_593 = arith.constant 1.000000e+00 : f32
    %logistic3A_594 = vector.broadcast %logistic3A_593 : f32 to vector<64x1024xf32>
    %logistic3A_595 = arith.addf %logistic3A_594, %logistic3A_592 : vector<64x1024xf32>
    %logistic3A_596 = arith.divf %logistic3A_594, %logistic3A_595 : vector<64x1024xf32>
    %mul3A_597 = arith.mulf %add3A_590, %logistic3A_596 : vector<64x1024xf32>
    %dot_general3A_598 = arith.constant dense<0.000000e+00> : vector<64x1024xf32>
    %dot_general3A_599 = tpu.matmul %get3A_7, %mul3A_597, %dot_general3A_598 {dimension_numbers = #tpu.dot_dimension_numbers<[1], [0], [0], [1], [0, 0, 1, 1], [], []>, transpose_lhs_hint = false} : vector<64x64xf32>, vector<64x1024xf32>, vector<64x1024xf32> -> vector<64x1024xf32>
    %add3A_600 = vector.broadcast %get3A_10 : vector<64x1xf32> to vector<64x1024xf32>
    %add3A_601 = arith.addf %dot_general3A_599, %add3A_600 : vector<64x1024xf32>
    %logistic3A_602 = arith.negf %add3A_601 : vector<64x1024xf32>
    %logistic3A_603 = math.exp %logistic3A_602 : vector<64x1024xf32>
    %logistic3A_604 = arith.constant 1.000000e+00 : f32
    %logistic3A_605 = vector.broadcast %logistic3A_604 : f32 to vector<64x1024xf32>
    %logistic3A_606 = arith.addf %logistic3A_605, %logistic3A_603 : vector<64x1024xf32>
    %logistic3A_607 = arith.divf %logistic3A_605, %logistic3A_606 : vector<64x1024xf32>
    %mul3A_608 = arith.mulf %add3A_601, %logistic3A_607 : vector<64x1024xf32>
    %slice3A_609 = vector.extract_strided_slice %add3A_386 {offsets = [6, 0], sizes = [1, 1024], strides = [1, 1]} : vector<32x1024xf32> to vector<1x1024xf32>
    %mul3A_610 = vector.broadcast %slice3A_609 : vector<1x1024xf32> to vector<64x1024xf32>
    %mul3A_611 = arith.mulf %mul3A_608, %mul3A_610 : vector<64x1024xf32>
    %reduce_sum3A_612 = arith.constant dense<0.000000e+00> : vector<64xf32>
    %reduce_sum3A_613 = vector.multi_reduction <add>, %mul3A_611, %reduce_sum3A_612 [1] : vector<64x1024xf32> to vector<64xf32>
    %broadcast_in_dim3A_614 = vector.shape_cast %reduce_sum3A_613 : vector<64xf32> to vector<64x1xf32>
    %get3A_615 = arith.constant 0 : index
    %get3A_616 = arith.constant 7 : index
    %get3A_617 = arith.constant 0 : index
    %get3A_618 = vector.load %arg1[%get3A_615, %get3A_616, %get3A_617] : memref<15x32x1024xf32, #tpu.memory_space<vmem>>, vector<15x1x1024xf32>
    %get3A_619 = vector.shape_cast %get3A_618 : vector<15x1x1024xf32> to vector<15x1024xf32>
    %dot_general3A_620 = arith.constant dense<0.000000e+00> : vector<64x1024xf32>
    %dot_general3A_621 = tpu.matmul %get3A_1, %get3A_619, %dot_general3A_620 {dimension_numbers = #tpu.dot_dimension_numbers<[1], [0], [0], [1], [0, 0, 1, 1], [], []>, transpose_lhs_hint = false} : vector<64x15xf32>, vector<15x1024xf32>, vector<64x1024xf32> -> vector<64x1024xf32>
    %add3A_622 = vector.broadcast %get3A_4 : vector<64x1xf32> to vector<64x1024xf32>
    %add3A_623 = arith.addf %dot_general3A_621, %add3A_622 : vector<64x1024xf32>
    %logistic3A_624 = arith.negf %add3A_623 : vector<64x1024xf32>
    %logistic3A_625 = math.exp %logistic3A_624 : vector<64x1024xf32>
    %logistic3A_626 = arith.constant 1.000000e+00 : f32
    %logistic3A_627 = vector.broadcast %logistic3A_626 : f32 to vector<64x1024xf32>
    %logistic3A_628 = arith.addf %logistic3A_627, %logistic3A_625 : vector<64x1024xf32>
    %logistic3A_629 = arith.divf %logistic3A_627, %logistic3A_628 : vector<64x1024xf32>
    %mul3A_630 = arith.mulf %add3A_623, %logistic3A_629 : vector<64x1024xf32>
    %dot_general3A_631 = arith.constant dense<0.000000e+00> : vector<64x1024xf32>
    %dot_general3A_632 = tpu.matmul %get3A_7, %mul3A_630, %dot_general3A_631 {dimension_numbers = #tpu.dot_dimension_numbers<[1], [0], [0], [1], [0, 0, 1, 1], [], []>, transpose_lhs_hint = false} : vector<64x64xf32>, vector<64x1024xf32>, vector<64x1024xf32> -> vector<64x1024xf32>
    %add3A_633 = vector.broadcast %get3A_10 : vector<64x1xf32> to vector<64x1024xf32>
    %add3A_634 = arith.addf %dot_general3A_632, %add3A_633 : vector<64x1024xf32>
    %logistic3A_635 = arith.negf %add3A_634 : vector<64x1024xf32>
    %logistic3A_636 = math.exp %logistic3A_635 : vector<64x1024xf32>
    %logistic3A_637 = arith.constant 1.000000e+00 : f32
    %logistic3A_638 = vector.broadcast %logistic3A_637 : f32 to vector<64x1024xf32>
    %logistic3A_639 = arith.addf %logistic3A_638, %logistic3A_636 : vector<64x1024xf32>
    %logistic3A_640 = arith.divf %logistic3A_638, %logistic3A_639 : vector<64x1024xf32>
    %mul3A_641 = arith.mulf %add3A_634, %logistic3A_640 : vector<64x1024xf32>
    %slice3A_642 = vector.extract_strided_slice %add3A_386 {offsets = [7, 0], sizes = [1, 1024], strides = [1, 1]} : vector<32x1024xf32> to vector<1x1024xf32>
    %mul3A_643 = vector.broadcast %slice3A_642 : vector<1x1024xf32> to vector<64x1024xf32>
    %mul3A_644 = arith.mulf %mul3A_641, %mul3A_643 : vector<64x1024xf32>
    %reduce_sum3A_645 = arith.constant dense<0.000000e+00> : vector<64xf32>
    %reduce_sum3A_646 = vector.multi_reduction <add>, %mul3A_644, %reduce_sum3A_645 [1] : vector<64x1024xf32> to vector<64xf32>
    %broadcast_in_dim3A_647 = vector.shape_cast %reduce_sum3A_646 : vector<64xf32> to vector<64x1xf32>
    %get3A_648 = arith.constant 0 : index
    %get3A_649 = arith.constant 8 : index
    %get3A_650 = arith.constant 0 : index
    %get3A_651 = vector.load %arg1[%get3A_648, %get3A_649, %get3A_650] : memref<15x32x1024xf32, #tpu.memory_space<vmem>>, vector<15x1x1024xf32>
    %get3A_652 = vector.shape_cast %get3A_651 : vector<15x1x1024xf32> to vector<15x1024xf32>
    %dot_general3A_653 = arith.constant dense<0.000000e+00> : vector<64x1024xf32>
    %dot_general3A_654 = tpu.matmul %get3A_1, %get3A_652, %dot_general3A_653 {dimension_numbers = #tpu.dot_dimension_numbers<[1], [0], [0], [1], [0, 0, 1, 1], [], []>, transpose_lhs_hint = false} : vector<64x15xf32>, vector<15x1024xf32>, vector<64x1024xf32> -> vector<64x1024xf32>
    %add3A_655 = vector.broadcast %get3A_4 : vector<64x1xf32> to vector<64x1024xf32>
    %add3A_656 = arith.addf %dot_general3A_654, %add3A_655 : vector<64x1024xf32>
    %logistic3A_657 = arith.negf %add3A_656 : vector<64x1024xf32>
    %logistic3A_658 = math.exp %logistic3A_657 : vector<64x1024xf32>
    %logistic3A_659 = arith.constant 1.000000e+00 : f32
    %logistic3A_660 = vector.broadcast %logistic3A_659 : f32 to vector<64x1024xf32>
    %logistic3A_661 = arith.addf %logistic3A_660, %logistic3A_658 : vector<64x1024xf32>
    %logistic3A_662 = arith.divf %logistic3A_660, %logistic3A_661 : vector<64x1024xf32>
    %mul3A_663 = arith.mulf %add3A_656, %logistic3A_662 : vector<64x1024xf32>
    %dot_general3A_664 = arith.constant dense<0.000000e+00> : vector<64x1024xf32>
    %dot_general3A_665 = tpu.matmul %get3A_7, %mul3A_663, %dot_general3A_664 {dimension_numbers = #tpu.dot_dimension_numbers<[1], [0], [0], [1], [0, 0, 1, 1], [], []>, transpose_lhs_hint = false} : vector<64x64xf32>, vector<64x1024xf32>, vector<64x1024xf32> -> vector<64x1024xf32>
    %add3A_666 = vector.broadcast %get3A_10 : vector<64x1xf32> to vector<64x1024xf32>
    %add3A_667 = arith.addf %dot_general3A_665, %add3A_666 : vector<64x1024xf32>
    %logistic3A_668 = arith.negf %add3A_667 : vector<64x1024xf32>
    %logistic3A_669 = math.exp %logistic3A_668 : vector<64x1024xf32>
    %logistic3A_670 = arith.constant 1.000000e+00 : f32
    %logistic3A_671 = vector.broadcast %logistic3A_670 : f32 to vector<64x1024xf32>
    %logistic3A_672 = arith.addf %logistic3A_671, %logistic3A_669 : vector<64x1024xf32>
    %logistic3A_673 = arith.divf %logistic3A_671, %logistic3A_672 : vector<64x1024xf32>
    %mul3A_674 = arith.mulf %add3A_667, %logistic3A_673 : vector<64x1024xf32>
    %slice3A_675 = vector.extract_strided_slice %add3A_386 {offsets = [8, 0], sizes = [1, 1024], strides = [1, 1]} : vector<32x1024xf32> to vector<1x1024xf32>
    %mul3A_676 = vector.broadcast %slice3A_675 : vector<1x1024xf32> to vector<64x1024xf32>
    %mul3A_677 = arith.mulf %mul3A_674, %mul3A_676 : vector<64x1024xf32>
    %reduce_sum3A_678 = arith.constant dense<0.000000e+00> : vector<64xf32>
    %reduce_sum3A_679 = vector.multi_reduction <add>, %mul3A_677, %reduce_sum3A_678 [1] : vector<64x1024xf32> to vector<64xf32>
    %broadcast_in_dim3A_680 = vector.shape_cast %reduce_sum3A_679 : vector<64xf32> to vector<64x1xf32>
    %get3A_681 = arith.constant 0 : index
    %get3A_682 = arith.constant 9 : index
    %get3A_683 = arith.constant 0 : index
    %get3A_684 = vector.load %arg1[%get3A_681, %get3A_682, %get3A_683] : memref<15x32x1024xf32, #tpu.memory_space<vmem>>, vector<15x1x1024xf32>
    %get3A_685 = vector.shape_cast %get3A_684 : vector<15x1x1024xf32> to vector<15x1024xf32>
    %dot_general3A_686 = arith.constant dense<0.000000e+00> : vector<64x1024xf32>
    %dot_general3A_687 = tpu.matmul %get3A_1, %get3A_685, %dot_general3A_686 {dimension_numbers = #tpu.dot_dimension_numbers<[1], [0], [0], [1], [0, 0, 1, 1], [], []>, transpose_lhs_hint = false} : vector<64x15xf32>, vector<15x1024xf32>, vector<64x1024xf32> -> vector<64x1024xf32>
    %add3A_688 = vector.broadcast %get3A_4 : vector<64x1xf32> to vector<64x1024xf32>
    %add3A_689 = arith.addf %dot_general3A_687, %add3A_688 : vector<64x1024xf32>
    %logistic3A_690 = arith.negf %add3A_689 : vector<64x1024xf32>
    %logistic3A_691 = math.exp %logistic3A_690 : vector<64x1024xf32>
    %logistic3A_692 = arith.constant 1.000000e+00 : f32
    %logistic3A_693 = vector.broadcast %logistic3A_692 : f32 to vector<64x1024xf32>
    %logistic3A_694 = arith.addf %logistic3A_693, %logistic3A_691 : vector<64x1024xf32>
    %logistic3A_695 = arith.divf %logistic3A_693, %logistic3A_694 : vector<64x1024xf32>
    %mul3A_696 = arith.mulf %add3A_689, %logistic3A_695 : vector<64x1024xf32>
    %dot_general3A_697 = arith.constant dense<0.000000e+00> : vector<64x1024xf32>
    %dot_general3A_698 = tpu.matmul %get3A_7, %mul3A_696, %dot_general3A_697 {dimension_numbers = #tpu.dot_dimension_numbers<[1], [0], [0], [1], [0, 0, 1, 1], [], []>, transpose_lhs_hint = false} : vector<64x64xf32>, vector<64x1024xf32>, vector<64x1024xf32> -> vector<64x1024xf32>
    %add3A_699 = vector.broadcast %get3A_10 : vector<64x1xf32> to vector<64x1024xf32>
    %add3A_700 = arith.addf %dot_general3A_698, %add3A_699 : vector<64x1024xf32>
    %logistic3A_701 = arith.negf %add3A_700 : vector<64x1024xf32>
    %logistic3A_702 = math.exp %logistic3A_701 : vector<64x1024xf32>
    %logistic3A_703 = arith.constant 1.000000e+00 : f32
    %logistic3A_704 = vector.broadcast %logistic3A_703 : f32 to vector<64x1024xf32>
    %logistic3A_705 = arith.addf %logistic3A_704, %logistic3A_702 : vector<64x1024xf32>
    %logistic3A_706 = arith.divf %logistic3A_704, %logistic3A_705 : vector<64x1024xf32>
    %mul3A_707 = arith.mulf %add3A_700, %logistic3A_706 : vector<64x1024xf32>
    %slice3A_708 = vector.extract_strided_slice %add3A_386 {offsets = [9, 0], sizes = [1, 1024], strides = [1, 1]} : vector<32x1024xf32> to vector<1x1024xf32>
    %mul3A_709 = vector.broadcast %slice3A_708 : vector<1x1024xf32> to vector<64x1024xf32>
    %mul3A_710 = arith.mulf %mul3A_707, %mul3A_709 : vector<64x1024xf32>
    %reduce_sum3A_711 = arith.constant dense<0.000000e+00> : vector<64xf32>
    %reduce_sum3A_712 = vector.multi_reduction <add>, %mul3A_710, %reduce_sum3A_711 [1] : vector<64x1024xf32> to vector<64xf32>
    %broadcast_in_dim3A_713 = vector.shape_cast %reduce_sum3A_712 : vector<64xf32> to vector<64x1xf32>
    %get3A_714 = arith.constant 0 : index
    %get3A_715 = arith.constant 10 : index
    %get3A_716 = arith.constant 0 : index
    %get3A_717 = vector.load %arg1[%get3A_714, %get3A_715, %get3A_716] : memref<15x32x1024xf32, #tpu.memory_space<vmem>>, vector<15x1x1024xf32>
    %get3A_718 = vector.shape_cast %get3A_717 : vector<15x1x1024xf32> to vector<15x1024xf32>
    %dot_general3A_719 = arith.constant dense<0.000000e+00> : vector<64x1024xf32>
    %dot_general3A_720 = tpu.matmul %get3A_1, %get3A_718, %dot_general3A_719 {dimension_numbers = #tpu.dot_dimension_numbers<[1], [0], [0], [1], [0, 0, 1, 1], [], []>, transpose_lhs_hint = false} : vector<64x15xf32>, vector<15x1024xf32>, vector<64x1024xf32> -> vector<64x1024xf32>
    %add3A_721 = vector.broadcast %get3A_4 : vector<64x1xf32> to vector<64x1024xf32>
    %add3A_722 = arith.addf %dot_general3A_720, %add3A_721 : vector<64x1024xf32>
    %logistic3A_723 = arith.negf %add3A_722 : vector<64x1024xf32>
    %logistic3A_724 = math.exp %logistic3A_723 : vector<64x1024xf32>
    %logistic3A_725 = arith.constant 1.000000e+00 : f32
    %logistic3A_726 = vector.broadcast %logistic3A_725 : f32 to vector<64x1024xf32>
    %logistic3A_727 = arith.addf %logistic3A_726, %logistic3A_724 : vector<64x1024xf32>
    %logistic3A_728 = arith.divf %logistic3A_726, %logistic3A_727 : vector<64x1024xf32>
    %mul3A_729 = arith.mulf %add3A_722, %logistic3A_728 : vector<64x1024xf32>
    %dot_general3A_730 = arith.constant dense<0.000000e+00> : vector<64x1024xf32>
    %dot_general3A_731 = tpu.matmul %get3A_7, %mul3A_729, %dot_general3A_730 {dimension_numbers = #tpu.dot_dimension_numbers<[1], [0], [0], [1], [0, 0, 1, 1], [], []>, transpose_lhs_hint = false} : vector<64x64xf32>, vector<64x1024xf32>, vector<64x1024xf32> -> vector<64x1024xf32>
    %add3A_732 = vector.broadcast %get3A_10 : vector<64x1xf32> to vector<64x1024xf32>
    %add3A_733 = arith.addf %dot_general3A_731, %add3A_732 : vector<64x1024xf32>
    %logistic3A_734 = arith.negf %add3A_733 : vector<64x1024xf32>
    %logistic3A_735 = math.exp %logistic3A_734 : vector<64x1024xf32>
    %logistic3A_736 = arith.constant 1.000000e+00 : f32
    %logistic3A_737 = vector.broadcast %logistic3A_736 : f32 to vector<64x1024xf32>
    %logistic3A_738 = arith.addf %logistic3A_737, %logistic3A_735 : vector<64x1024xf32>
    %logistic3A_739 = arith.divf %logistic3A_737, %logistic3A_738 : vector<64x1024xf32>
    %mul3A_740 = arith.mulf %add3A_733, %logistic3A_739 : vector<64x1024xf32>
    %slice3A_741 = vector.extract_strided_slice %add3A_386 {offsets = [10, 0], sizes = [1, 1024], strides = [1, 1]} : vector<32x1024xf32> to vector<1x1024xf32>
    %mul3A_742 = vector.broadcast %slice3A_741 : vector<1x1024xf32> to vector<64x1024xf32>
    %mul3A_743 = arith.mulf %mul3A_740, %mul3A_742 : vector<64x1024xf32>
    %reduce_sum3A_744 = arith.constant dense<0.000000e+00> : vector<64xf32>
    %reduce_sum3A_745 = vector.multi_reduction <add>, %mul3A_743, %reduce_sum3A_744 [1] : vector<64x1024xf32> to vector<64xf32>
    %broadcast_in_dim3A_746 = vector.shape_cast %reduce_sum3A_745 : vector<64xf32> to vector<64x1xf32>
    %get3A_747 = arith.constant 0 : index
    %get3A_748 = arith.constant 11 : index
    %get3A_749 = arith.constant 0 : index
    %get3A_750 = vector.load %arg1[%get3A_747, %get3A_748, %get3A_749] : memref<15x32x1024xf32, #tpu.memory_space<vmem>>, vector<15x1x1024xf32>
    %get3A_751 = vector.shape_cast %get3A_750 : vector<15x1x1024xf32> to vector<15x1024xf32>
    %dot_general3A_752 = arith.constant dense<0.000000e+00> : vector<64x1024xf32>
    %dot_general3A_753 = tpu.matmul %get3A_1, %get3A_751, %dot_general3A_752 {dimension_numbers = #tpu.dot_dimension_numbers<[1], [0], [0], [1], [0, 0, 1, 1], [], []>, transpose_lhs_hint = false} : vector<64x15xf32>, vector<15x1024xf32>, vector<64x1024xf32> -> vector<64x1024xf32>
    %add3A_754 = vector.broadcast %get3A_4 : vector<64x1xf32> to vector<64x1024xf32>
    %add3A_755 = arith.addf %dot_general3A_753, %add3A_754 : vector<64x1024xf32>
    %logistic3A_756 = arith.negf %add3A_755 : vector<64x1024xf32>
    %logistic3A_757 = math.exp %logistic3A_756 : vector<64x1024xf32>
    %logistic3A_758 = arith.constant 1.000000e+00 : f32
    %logistic3A_759 = vector.broadcast %logistic3A_758 : f32 to vector<64x1024xf32>
    %logistic3A_760 = arith.addf %logistic3A_759, %logistic3A_757 : vector<64x1024xf32>
    %logistic3A_761 = arith.divf %logistic3A_759, %logistic3A_760 : vector<64x1024xf32>
    %mul3A_762 = arith.mulf %add3A_755, %logistic3A_761 : vector<64x1024xf32>
    %dot_general3A_763 = arith.constant dense<0.000000e+00> : vector<64x1024xf32>
    %dot_general3A_764 = tpu.matmul %get3A_7, %mul3A_762, %dot_general3A_763 {dimension_numbers = #tpu.dot_dimension_numbers<[1], [0], [0], [1], [0, 0, 1, 1], [], []>, transpose_lhs_hint = false} : vector<64x64xf32>, vector<64x1024xf32>, vector<64x1024xf32> -> vector<64x1024xf32>
    %add3A_765 = vector.broadcast %get3A_10 : vector<64x1xf32> to vector<64x1024xf32>
    %add3A_766 = arith.addf %dot_general3A_764, %add3A_765 : vector<64x1024xf32>
    %logistic3A_767 = arith.negf %add3A_766 : vector<64x1024xf32>
    %logistic3A_768 = math.exp %logistic3A_767 : vector<64x1024xf32>
    %logistic3A_769 = arith.constant 1.000000e+00 : f32
    %logistic3A_770 = vector.broadcast %logistic3A_769 : f32 to vector<64x1024xf32>
    %logistic3A_771 = arith.addf %logistic3A_770, %logistic3A_768 : vector<64x1024xf32>
    %logistic3A_772 = arith.divf %logistic3A_770, %logistic3A_771 : vector<64x1024xf32>
    %mul3A_773 = arith.mulf %add3A_766, %logistic3A_772 : vector<64x1024xf32>
    %slice3A_774 = vector.extract_strided_slice %add3A_386 {offsets = [11, 0], sizes = [1, 1024], strides = [1, 1]} : vector<32x1024xf32> to vector<1x1024xf32>
    %mul3A_775 = vector.broadcast %slice3A_774 : vector<1x1024xf32> to vector<64x1024xf32>
    %mul3A_776 = arith.mulf %mul3A_773, %mul3A_775 : vector<64x1024xf32>
    %reduce_sum3A_777 = arith.constant dense<0.000000e+00> : vector<64xf32>
    %reduce_sum3A_778 = vector.multi_reduction <add>, %mul3A_776, %reduce_sum3A_777 [1] : vector<64x1024xf32> to vector<64xf32>
    %broadcast_in_dim3A_779 = vector.shape_cast %reduce_sum3A_778 : vector<64xf32> to vector<64x1xf32>
    %get3A_780 = arith.constant 0 : index
    %get3A_781 = arith.constant 12 : index
    %get3A_782 = arith.constant 0 : index
    %get3A_783 = vector.load %arg1[%get3A_780, %get3A_781, %get3A_782] : memref<15x32x1024xf32, #tpu.memory_space<vmem>>, vector<15x1x1024xf32>
    %get3A_784 = vector.shape_cast %get3A_783 : vector<15x1x1024xf32> to vector<15x1024xf32>
    %dot_general3A_785 = arith.constant dense<0.000000e+00> : vector<64x1024xf32>
    %dot_general3A_786 = tpu.matmul %get3A_1, %get3A_784, %dot_general3A_785 {dimension_numbers = #tpu.dot_dimension_numbers<[1], [0], [0], [1], [0, 0, 1, 1], [], []>, transpose_lhs_hint = false} : vector<64x15xf32>, vector<15x1024xf32>, vector<64x1024xf32> -> vector<64x1024xf32>
    %add3A_787 = vector.broadcast %get3A_4 : vector<64x1xf32> to vector<64x1024xf32>
    %add3A_788 = arith.addf %dot_general3A_786, %add3A_787 : vector<64x1024xf32>
    %logistic3A_789 = arith.negf %add3A_788 : vector<64x1024xf32>
    %logistic3A_790 = math.exp %logistic3A_789 : vector<64x1024xf32>
    %logistic3A_791 = arith.constant 1.000000e+00 : f32
    %logistic3A_792 = vector.broadcast %logistic3A_791 : f32 to vector<64x1024xf32>
    %logistic3A_793 = arith.addf %logistic3A_792, %logistic3A_790 : vector<64x1024xf32>
    %logistic3A_794 = arith.divf %logistic3A_792, %logistic3A_793 : vector<64x1024xf32>
    %mul3A_795 = arith.mulf %add3A_788, %logistic3A_794 : vector<64x1024xf32>
    %dot_general3A_796 = arith.constant dense<0.000000e+00> : vector<64x1024xf32>
    %dot_general3A_797 = tpu.matmul %get3A_7, %mul3A_795, %dot_general3A_796 {dimension_numbers = #tpu.dot_dimension_numbers<[1], [0], [0], [1], [0, 0, 1, 1], [], []>, transpose_lhs_hint = false} : vector<64x64xf32>, vector<64x1024xf32>, vector<64x1024xf32> -> vector<64x1024xf32>
    %add3A_798 = vector.broadcast %get3A_10 : vector<64x1xf32> to vector<64x1024xf32>
    %add3A_799 = arith.addf %dot_general3A_797, %add3A_798 : vector<64x1024xf32>
    %logistic3A_800 = arith.negf %add3A_799 : vector<64x1024xf32>
    %logistic3A_801 = math.exp %logistic3A_800 : vector<64x1024xf32>
    %logistic3A_802 = arith.constant 1.000000e+00 : f32
    %logistic3A_803 = vector.broadcast %logistic3A_802 : f32 to vector<64x1024xf32>
    %logistic3A_804 = arith.addf %logistic3A_803, %logistic3A_801 : vector<64x1024xf32>
    %logistic3A_805 = arith.divf %logistic3A_803, %logistic3A_804 : vector<64x1024xf32>
    %mul3A_806 = arith.mulf %add3A_799, %logistic3A_805 : vector<64x1024xf32>
    %slice3A_807 = vector.extract_strided_slice %add3A_386 {offsets = [12, 0], sizes = [1, 1024], strides = [1, 1]} : vector<32x1024xf32> to vector<1x1024xf32>
    %mul3A_808 = vector.broadcast %slice3A_807 : vector<1x1024xf32> to vector<64x1024xf32>
    %mul3A_809 = arith.mulf %mul3A_806, %mul3A_808 : vector<64x1024xf32>
    %reduce_sum3A_810 = arith.constant dense<0.000000e+00> : vector<64xf32>
    %reduce_sum3A_811 = vector.multi_reduction <add>, %mul3A_809, %reduce_sum3A_810 [1] : vector<64x1024xf32> to vector<64xf32>
    %broadcast_in_dim3A_812 = vector.shape_cast %reduce_sum3A_811 : vector<64xf32> to vector<64x1xf32>
    %get3A_813 = arith.constant 0 : index
    %get3A_814 = arith.constant 13 : index
    %get3A_815 = arith.constant 0 : index
    %get3A_816 = vector.load %arg1[%get3A_813, %get3A_814, %get3A_815] : memref<15x32x1024xf32, #tpu.memory_space<vmem>>, vector<15x1x1024xf32>
    %get3A_817 = vector.shape_cast %get3A_816 : vector<15x1x1024xf32> to vector<15x1024xf32>
    %dot_general3A_818 = arith.constant dense<0.000000e+00> : vector<64x1024xf32>
    %dot_general3A_819 = tpu.matmul %get3A_1, %get3A_817, %dot_general3A_818 {dimension_numbers = #tpu.dot_dimension_numbers<[1], [0], [0], [1], [0, 0, 1, 1], [], []>, transpose_lhs_hint = false} : vector<64x15xf32>, vector<15x1024xf32>, vector<64x1024xf32> -> vector<64x1024xf32>
    %add3A_820 = vector.broadcast %get3A_4 : vector<64x1xf32> to vector<64x1024xf32>
    %add3A_821 = arith.addf %dot_general3A_819, %add3A_820 : vector<64x1024xf32>
    %logistic3A_822 = arith.negf %add3A_821 : vector<64x1024xf32>
    %logistic3A_823 = math.exp %logistic3A_822 : vector<64x1024xf32>
    %logistic3A_824 = arith.constant 1.000000e+00 : f32
    %logistic3A_825 = vector.broadcast %logistic3A_824 : f32 to vector<64x1024xf32>
    %logistic3A_826 = arith.addf %logistic3A_825, %logistic3A_823 : vector<64x1024xf32>
    %logistic3A_827 = arith.divf %logistic3A_825, %logistic3A_826 : vector<64x1024xf32>
    %mul3A_828 = arith.mulf %add3A_821, %logistic3A_827 : vector<64x1024xf32>
    %dot_general3A_829 = arith.constant dense<0.000000e+00> : vector<64x1024xf32>
    %dot_general3A_830 = tpu.matmul %get3A_7, %mul3A_828, %dot_general3A_829 {dimension_numbers = #tpu.dot_dimension_numbers<[1], [0], [0], [1], [0, 0, 1, 1], [], []>, transpose_lhs_hint = false} : vector<64x64xf32>, vector<64x1024xf32>, vector<64x1024xf32> -> vector<64x1024xf32>
    %add3A_831 = vector.broadcast %get3A_10 : vector<64x1xf32> to vector<64x1024xf32>
    %add3A_832 = arith.addf %dot_general3A_830, %add3A_831 : vector<64x1024xf32>
    %logistic3A_833 = arith.negf %add3A_832 : vector<64x1024xf32>
    %logistic3A_834 = math.exp %logistic3A_833 : vector<64x1024xf32>
    %logistic3A_835 = arith.constant 1.000000e+00 : f32
    %logistic3A_836 = vector.broadcast %logistic3A_835 : f32 to vector<64x1024xf32>
    %logistic3A_837 = arith.addf %logistic3A_836, %logistic3A_834 : vector<64x1024xf32>
    %logistic3A_838 = arith.divf %logistic3A_836, %logistic3A_837 : vector<64x1024xf32>
    %mul3A_839 = arith.mulf %add3A_832, %logistic3A_838 : vector<64x1024xf32>
    %slice3A_840 = vector.extract_strided_slice %add3A_386 {offsets = [13, 0], sizes = [1, 1024], strides = [1, 1]} : vector<32x1024xf32> to vector<1x1024xf32>
    %mul3A_841 = vector.broadcast %slice3A_840 : vector<1x1024xf32> to vector<64x1024xf32>
    %mul3A_842 = arith.mulf %mul3A_839, %mul3A_841 : vector<64x1024xf32>
    %reduce_sum3A_843 = arith.constant dense<0.000000e+00> : vector<64xf32>
    %reduce_sum3A_844 = vector.multi_reduction <add>, %mul3A_842, %reduce_sum3A_843 [1] : vector<64x1024xf32> to vector<64xf32>
    %broadcast_in_dim3A_845 = vector.shape_cast %reduce_sum3A_844 : vector<64xf32> to vector<64x1xf32>
    %get3A_846 = arith.constant 0 : index
    %get3A_847 = arith.constant 14 : index
    %get3A_848 = arith.constant 0 : index
    %get3A_849 = vector.load %arg1[%get3A_846, %get3A_847, %get3A_848] : memref<15x32x1024xf32, #tpu.memory_space<vmem>>, vector<15x1x1024xf32>
    %get3A_850 = vector.shape_cast %get3A_849 : vector<15x1x1024xf32> to vector<15x1024xf32>
    %dot_general3A_851 = arith.constant dense<0.000000e+00> : vector<64x1024xf32>
    %dot_general3A_852 = tpu.matmul %get3A_1, %get3A_850, %dot_general3A_851 {dimension_numbers = #tpu.dot_dimension_numbers<[1], [0], [0], [1], [0, 0, 1, 1], [], []>, transpose_lhs_hint = false} : vector<64x15xf32>, vector<15x1024xf32>, vector<64x1024xf32> -> vector<64x1024xf32>
    %add3A_853 = vector.broadcast %get3A_4 : vector<64x1xf32> to vector<64x1024xf32>
    %add3A_854 = arith.addf %dot_general3A_852, %add3A_853 : vector<64x1024xf32>
    %logistic3A_855 = arith.negf %add3A_854 : vector<64x1024xf32>
    %logistic3A_856 = math.exp %logistic3A_855 : vector<64x1024xf32>
    %logistic3A_857 = arith.constant 1.000000e+00 : f32
    %logistic3A_858 = vector.broadcast %logistic3A_857 : f32 to vector<64x1024xf32>
    %logistic3A_859 = arith.addf %logistic3A_858, %logistic3A_856 : vector<64x1024xf32>
    %logistic3A_860 = arith.divf %logistic3A_858, %logistic3A_859 : vector<64x1024xf32>
    %mul3A_861 = arith.mulf %add3A_854, %logistic3A_860 : vector<64x1024xf32>
    %dot_general3A_862 = arith.constant dense<0.000000e+00> : vector<64x1024xf32>
    %dot_general3A_863 = tpu.matmul %get3A_7, %mul3A_861, %dot_general3A_862 {dimension_numbers = #tpu.dot_dimension_numbers<[1], [0], [0], [1], [0, 0, 1, 1], [], []>, transpose_lhs_hint = false} : vector<64x64xf32>, vector<64x1024xf32>, vector<64x1024xf32> -> vector<64x1024xf32>
    %add3A_864 = vector.broadcast %get3A_10 : vector<64x1xf32> to vector<64x1024xf32>
    %add3A_865 = arith.addf %dot_general3A_863, %add3A_864 : vector<64x1024xf32>
    %logistic3A_866 = arith.negf %add3A_865 : vector<64x1024xf32>
    %logistic3A_867 = math.exp %logistic3A_866 : vector<64x1024xf32>
    %logistic3A_868 = arith.constant 1.000000e+00 : f32
    %logistic3A_869 = vector.broadcast %logistic3A_868 : f32 to vector<64x1024xf32>
    %logistic3A_870 = arith.addf %logistic3A_869, %logistic3A_867 : vector<64x1024xf32>
    %logistic3A_871 = arith.divf %logistic3A_869, %logistic3A_870 : vector<64x1024xf32>
    %mul3A_872 = arith.mulf %add3A_865, %logistic3A_871 : vector<64x1024xf32>
    %slice3A_873 = vector.extract_strided_slice %add3A_386 {offsets = [14, 0], sizes = [1, 1024], strides = [1, 1]} : vector<32x1024xf32> to vector<1x1024xf32>
    %mul3A_874 = vector.broadcast %slice3A_873 : vector<1x1024xf32> to vector<64x1024xf32>
    %mul3A_875 = arith.mulf %mul3A_872, %mul3A_874 : vector<64x1024xf32>
    %reduce_sum3A_876 = arith.constant dense<0.000000e+00> : vector<64xf32>
    %reduce_sum3A_877 = vector.multi_reduction <add>, %mul3A_875, %reduce_sum3A_876 [1] : vector<64x1024xf32> to vector<64xf32>
    %broadcast_in_dim3A_878 = vector.shape_cast %reduce_sum3A_877 : vector<64xf32> to vector<64x1xf32>
    %get3A_879 = arith.constant 0 : index
    %get3A_880 = arith.constant 15 : index
    %get3A_881 = arith.constant 0 : index
    %get3A_882 = vector.load %arg1[%get3A_879, %get3A_880, %get3A_881] : memref<15x32x1024xf32, #tpu.memory_space<vmem>>, vector<15x1x1024xf32>
    %get3A_883 = vector.shape_cast %get3A_882 : vector<15x1x1024xf32> to vector<15x1024xf32>
    %dot_general3A_884 = arith.constant dense<0.000000e+00> : vector<64x1024xf32>
    %dot_general3A_885 = tpu.matmul %get3A_1, %get3A_883, %dot_general3A_884 {dimension_numbers = #tpu.dot_dimension_numbers<[1], [0], [0], [1], [0, 0, 1, 1], [], []>, transpose_lhs_hint = false} : vector<64x15xf32>, vector<15x1024xf32>, vector<64x1024xf32> -> vector<64x1024xf32>
    %add3A_886 = vector.broadcast %get3A_4 : vector<64x1xf32> to vector<64x1024xf32>
    %add3A_887 = arith.addf %dot_general3A_885, %add3A_886 : vector<64x1024xf32>
    %logistic3A_888 = arith.negf %add3A_887 : vector<64x1024xf32>
    %logistic3A_889 = math.exp %logistic3A_888 : vector<64x1024xf32>
    %logistic3A_890 = arith.constant 1.000000e+00 : f32
    %logistic3A_891 = vector.broadcast %logistic3A_890 : f32 to vector<64x1024xf32>
    %logistic3A_892 = arith.addf %logistic3A_891, %logistic3A_889 : vector<64x1024xf32>
    %logistic3A_893 = arith.divf %logistic3A_891, %logistic3A_892 : vector<64x1024xf32>
    %mul3A_894 = arith.mulf %add3A_887, %logistic3A_893 : vector<64x1024xf32>
    %dot_general3A_895 = arith.constant dense<0.000000e+00> : vector<64x1024xf32>
    %dot_general3A_896 = tpu.matmul %get3A_7, %mul3A_894, %dot_general3A_895 {dimension_numbers = #tpu.dot_dimension_numbers<[1], [0], [0], [1], [0, 0, 1, 1], [], []>, transpose_lhs_hint = false} : vector<64x64xf32>, vector<64x1024xf32>, vector<64x1024xf32> -> vector<64x1024xf32>
    %add3A_897 = vector.broadcast %get3A_10 : vector<64x1xf32> to vector<64x1024xf32>
    %add3A_898 = arith.addf %dot_general3A_896, %add3A_897 : vector<64x1024xf32>
    %logistic3A_899 = arith.negf %add3A_898 : vector<64x1024xf32>
    %logistic3A_900 = math.exp %logistic3A_899 : vector<64x1024xf32>
    %logistic3A_901 = arith.constant 1.000000e+00 : f32
    %logistic3A_902 = vector.broadcast %logistic3A_901 : f32 to vector<64x1024xf32>
    %logistic3A_903 = arith.addf %logistic3A_902, %logistic3A_900 : vector<64x1024xf32>
    %logistic3A_904 = arith.divf %logistic3A_902, %logistic3A_903 : vector<64x1024xf32>
    %mul3A_905 = arith.mulf %add3A_898, %logistic3A_904 : vector<64x1024xf32>
    %slice3A_906 = vector.extract_strided_slice %add3A_386 {offsets = [15, 0], sizes = [1, 1024], strides = [1, 1]} : vector<32x1024xf32> to vector<1x1024xf32>
    %mul3A_907 = vector.broadcast %slice3A_906 : vector<1x1024xf32> to vector<64x1024xf32>
    %mul3A_908 = arith.mulf %mul3A_905, %mul3A_907 : vector<64x1024xf32>
    %reduce_sum3A_909 = arith.constant dense<0.000000e+00> : vector<64xf32>
    %reduce_sum3A_910 = vector.multi_reduction <add>, %mul3A_908, %reduce_sum3A_909 [1] : vector<64x1024xf32> to vector<64xf32>
    %broadcast_in_dim3A_911 = vector.shape_cast %reduce_sum3A_910 : vector<64xf32> to vector<64x1xf32>
    %get3A_912 = arith.constant 0 : index
    %get3A_913 = arith.constant 16 : index
    %get3A_914 = arith.constant 0 : index
    %get3A_915 = vector.load %arg1[%get3A_912, %get3A_913, %get3A_914] : memref<15x32x1024xf32, #tpu.memory_space<vmem>>, vector<15x1x1024xf32>
    %get3A_916 = vector.shape_cast %get3A_915 : vector<15x1x1024xf32> to vector<15x1024xf32>
    %dot_general3A_917 = arith.constant dense<0.000000e+00> : vector<64x1024xf32>
    %dot_general3A_918 = tpu.matmul %get3A_1, %get3A_916, %dot_general3A_917 {dimension_numbers = #tpu.dot_dimension_numbers<[1], [0], [0], [1], [0, 0, 1, 1], [], []>, transpose_lhs_hint = false} : vector<64x15xf32>, vector<15x1024xf32>, vector<64x1024xf32> -> vector<64x1024xf32>
    %add3A_919 = vector.broadcast %get3A_4 : vector<64x1xf32> to vector<64x1024xf32>
    %add3A_920 = arith.addf %dot_general3A_918, %add3A_919 : vector<64x1024xf32>
    %logistic3A_921 = arith.negf %add3A_920 : vector<64x1024xf32>
    %logistic3A_922 = math.exp %logistic3A_921 : vector<64x1024xf32>
    %logistic3A_923 = arith.constant 1.000000e+00 : f32
    %logistic3A_924 = vector.broadcast %logistic3A_923 : f32 to vector<64x1024xf32>
    %logistic3A_925 = arith.addf %logistic3A_924, %logistic3A_922 : vector<64x1024xf32>
    %logistic3A_926 = arith.divf %logistic3A_924, %logistic3A_925 : vector<64x1024xf32>
    %mul3A_927 = arith.mulf %add3A_920, %logistic3A_926 : vector<64x1024xf32>
    %dot_general3A_928 = arith.constant dense<0.000000e+00> : vector<64x1024xf32>
    %dot_general3A_929 = tpu.matmul %get3A_7, %mul3A_927, %dot_general3A_928 {dimension_numbers = #tpu.dot_dimension_numbers<[1], [0], [0], [1], [0, 0, 1, 1], [], []>, transpose_lhs_hint = false} : vector<64x64xf32>, vector<64x1024xf32>, vector<64x1024xf32> -> vector<64x1024xf32>
    %add3A_930 = vector.broadcast %get3A_10 : vector<64x1xf32> to vector<64x1024xf32>
    %add3A_931 = arith.addf %dot_general3A_929, %add3A_930 : vector<64x1024xf32>
    %logistic3A_932 = arith.negf %add3A_931 : vector<64x1024xf32>
    %logistic3A_933 = math.exp %logistic3A_932 : vector<64x1024xf32>
    %logistic3A_934 = arith.constant 1.000000e+00 : f32
    %logistic3A_935 = vector.broadcast %logistic3A_934 : f32 to vector<64x1024xf32>
    %logistic3A_936 = arith.addf %logistic3A_935, %logistic3A_933 : vector<64x1024xf32>
    %logistic3A_937 = arith.divf %logistic3A_935, %logistic3A_936 : vector<64x1024xf32>
    %mul3A_938 = arith.mulf %add3A_931, %logistic3A_937 : vector<64x1024xf32>
    %slice3A_939 = vector.extract_strided_slice %add3A_386 {offsets = [16, 0], sizes = [1, 1024], strides = [1, 1]} : vector<32x1024xf32> to vector<1x1024xf32>
    %mul3A_940 = vector.broadcast %slice3A_939 : vector<1x1024xf32> to vector<64x1024xf32>
    %mul3A_941 = arith.mulf %mul3A_938, %mul3A_940 : vector<64x1024xf32>
    %reduce_sum3A_942 = arith.constant dense<0.000000e+00> : vector<64xf32>
    %reduce_sum3A_943 = vector.multi_reduction <add>, %mul3A_941, %reduce_sum3A_942 [1] : vector<64x1024xf32> to vector<64xf32>
    %broadcast_in_dim3A_944 = vector.shape_cast %reduce_sum3A_943 : vector<64xf32> to vector<64x1xf32>
    %get3A_945 = arith.constant 0 : index
    %get3A_946 = arith.constant 17 : index
    %get3A_947 = arith.constant 0 : index
    %get3A_948 = vector.load %arg1[%get3A_945, %get3A_946, %get3A_947] : memref<15x32x1024xf32, #tpu.memory_space<vmem>>, vector<15x1x1024xf32>
    %get3A_949 = vector.shape_cast %get3A_948 : vector<15x1x1024xf32> to vector<15x1024xf32>
    %dot_general3A_950 = arith.constant dense<0.000000e+00> : vector<64x1024xf32>
    %dot_general3A_951 = tpu.matmul %get3A_1, %get3A_949, %dot_general3A_950 {dimension_numbers = #tpu.dot_dimension_numbers<[1], [0], [0], [1], [0, 0, 1, 1], [], []>, transpose_lhs_hint = false} : vector<64x15xf32>, vector<15x1024xf32>, vector<64x1024xf32> -> vector<64x1024xf32>
    %add3A_952 = vector.broadcast %get3A_4 : vector<64x1xf32> to vector<64x1024xf32>
    %add3A_953 = arith.addf %dot_general3A_951, %add3A_952 : vector<64x1024xf32>
    %logistic3A_954 = arith.negf %add3A_953 : vector<64x1024xf32>
    %logistic3A_955 = math.exp %logistic3A_954 : vector<64x1024xf32>
    %logistic3A_956 = arith.constant 1.000000e+00 : f32
    %logistic3A_957 = vector.broadcast %logistic3A_956 : f32 to vector<64x1024xf32>
    %logistic3A_958 = arith.addf %logistic3A_957, %logistic3A_955 : vector<64x1024xf32>
    %logistic3A_959 = arith.divf %logistic3A_957, %logistic3A_958 : vector<64x1024xf32>
    %mul3A_960 = arith.mulf %add3A_953, %logistic3A_959 : vector<64x1024xf32>
    %dot_general3A_961 = arith.constant dense<0.000000e+00> : vector<64x1024xf32>
    %dot_general3A_962 = tpu.matmul %get3A_7, %mul3A_960, %dot_general3A_961 {dimension_numbers = #tpu.dot_dimension_numbers<[1], [0], [0], [1], [0, 0, 1, 1], [], []>, transpose_lhs_hint = false} : vector<64x64xf32>, vector<64x1024xf32>, vector<64x1024xf32> -> vector<64x1024xf32>
    %add3A_963 = vector.broadcast %get3A_10 : vector<64x1xf32> to vector<64x1024xf32>
    %add3A_964 = arith.addf %dot_general3A_962, %add3A_963 : vector<64x1024xf32>
    %logistic3A_965 = arith.negf %add3A_964 : vector<64x1024xf32>
    %logistic3A_966 = math.exp %logistic3A_965 : vector<64x1024xf32>
    %logistic3A_967 = arith.constant 1.000000e+00 : f32
    %logistic3A_968 = vector.broadcast %logistic3A_967 : f32 to vector<64x1024xf32>
    %logistic3A_969 = arith.addf %logistic3A_968, %logistic3A_966 : vector<64x1024xf32>
    %logistic3A_970 = arith.divf %logistic3A_968, %logistic3A_969 : vector<64x1024xf32>
    %mul3A_971 = arith.mulf %add3A_964, %logistic3A_970 : vector<64x1024xf32>
    %slice3A_972 = vector.extract_strided_slice %add3A_386 {offsets = [17, 0], sizes = [1, 1024], strides = [1, 1]} : vector<32x1024xf32> to vector<1x1024xf32>
    %mul3A_973 = vector.broadcast %slice3A_972 : vector<1x1024xf32> to vector<64x1024xf32>
    %mul3A_974 = arith.mulf %mul3A_971, %mul3A_973 : vector<64x1024xf32>
    %reduce_sum3A_975 = arith.constant dense<0.000000e+00> : vector<64xf32>
    %reduce_sum3A_976 = vector.multi_reduction <add>, %mul3A_974, %reduce_sum3A_975 [1] : vector<64x1024xf32> to vector<64xf32>
    %broadcast_in_dim3A_977 = vector.shape_cast %reduce_sum3A_976 : vector<64xf32> to vector<64x1xf32>
    %get3A_978 = arith.constant 0 : index
    %get3A_979 = arith.constant 18 : index
    %get3A_980 = arith.constant 0 : index
    %get3A_981 = vector.load %arg1[%get3A_978, %get3A_979, %get3A_980] : memref<15x32x1024xf32, #tpu.memory_space<vmem>>, vector<15x1x1024xf32>
    %get3A_982 = vector.shape_cast %get3A_981 : vector<15x1x1024xf32> to vector<15x1024xf32>
    %dot_general3A_983 = arith.constant dense<0.000000e+00> : vector<64x1024xf32>
    %dot_general3A_984 = tpu.matmul %get3A_1, %get3A_982, %dot_general3A_983 {dimension_numbers = #tpu.dot_dimension_numbers<[1], [0], [0], [1], [0, 0, 1, 1], [], []>, transpose_lhs_hint = false} : vector<64x15xf32>, vector<15x1024xf32>, vector<64x1024xf32> -> vector<64x1024xf32>
    %add3A_985 = vector.broadcast %get3A_4 : vector<64x1xf32> to vector<64x1024xf32>
    %add3A_986 = arith.addf %dot_general3A_984, %add3A_985 : vector<64x1024xf32>
    %logistic3A_987 = arith.negf %add3A_986 : vector<64x1024xf32>
    %logistic3A_988 = math.exp %logistic3A_987 : vector<64x1024xf32>
    %logistic3A_989 = arith.constant 1.000000e+00 : f32
    %logistic3A_990 = vector.broadcast %logistic3A_989 : f32 to vector<64x1024xf32>
    %logistic3A_991 = arith.addf %logistic3A_990, %logistic3A_988 : vector<64x1024xf32>
    %logistic3A_992 = arith.divf %logistic3A_990, %logistic3A_991 : vector<64x1024xf32>
    %mul3A_993 = arith.mulf %add3A_986, %logistic3A_992 : vector<64x1024xf32>
    %dot_general3A_994 = arith.constant dense<0.000000e+00> : vector<64x1024xf32>
    %dot_general3A_995 = tpu.matmul %get3A_7, %mul3A_993, %dot_general3A_994 {dimension_numbers = #tpu.dot_dimension_numbers<[1], [0], [0], [1], [0, 0, 1, 1], [], []>, transpose_lhs_hint = false} : vector<64x64xf32>, vector<64x1024xf32>, vector<64x1024xf32> -> vector<64x1024xf32>
    %add3A_996 = vector.broadcast %get3A_10 : vector<64x1xf32> to vector<64x1024xf32>
    %add3A_997 = arith.addf %dot_general3A_995, %add3A_996 : vector<64x1024xf32>
    %logistic3A_998 = arith.negf %add3A_997 : vector<64x1024xf32>
    %logistic3A_999 = math.exp %logistic3A_998 : vector<64x1024xf32>
    %logistic3A_1000 = arith.constant 1.000000e+00 : f32
    %logistic3A_1001 = vector.broadcast %logistic3A_1000 : f32 to vector<64x1024xf32>
    %logistic3A_1002 = arith.addf %logistic3A_1001, %logistic3A_999 : vector<64x1024xf32>
    %logistic3A_1003 = arith.divf %logistic3A_1001, %logistic3A_1002 : vector<64x1024xf32>
    %mul3A_1004 = arith.mulf %add3A_997, %logistic3A_1003 : vector<64x1024xf32>
    %slice3A_1005 = vector.extract_strided_slice %add3A_386 {offsets = [18, 0], sizes = [1, 1024], strides = [1, 1]} : vector<32x1024xf32> to vector<1x1024xf32>
    %mul3A_1006 = vector.broadcast %slice3A_1005 : vector<1x1024xf32> to vector<64x1024xf32>
    %mul3A_1007 = arith.mulf %mul3A_1004, %mul3A_1006 : vector<64x1024xf32>
    %reduce_sum3A_1008 = arith.constant dense<0.000000e+00> : vector<64xf32>
    %reduce_sum3A_1009 = vector.multi_reduction <add>, %mul3A_1007, %reduce_sum3A_1008 [1] : vector<64x1024xf32> to vector<64xf32>
    %broadcast_in_dim3A_1010 = vector.shape_cast %reduce_sum3A_1009 : vector<64xf32> to vector<64x1xf32>
    %get3A_1011 = arith.constant 0 : index
    %get3A_1012 = arith.constant 19 : index
    %get3A_1013 = arith.constant 0 : index
    %get3A_1014 = vector.load %arg1[%get3A_1011, %get3A_1012, %get3A_1013] : memref<15x32x1024xf32, #tpu.memory_space<vmem>>, vector<15x1x1024xf32>
    %get3A_1015 = vector.shape_cast %get3A_1014 : vector<15x1x1024xf32> to vector<15x1024xf32>
    %dot_general3A_1016 = arith.constant dense<0.000000e+00> : vector<64x1024xf32>
    %dot_general3A_1017 = tpu.matmul %get3A_1, %get3A_1015, %dot_general3A_1016 {dimension_numbers = #tpu.dot_dimension_numbers<[1], [0], [0], [1], [0, 0, 1, 1], [], []>, transpose_lhs_hint = false} : vector<64x15xf32>, vector<15x1024xf32>, vector<64x1024xf32> -> vector<64x1024xf32>
    %add3A_1018 = vector.broadcast %get3A_4 : vector<64x1xf32> to vector<64x1024xf32>
    %add3A_1019 = arith.addf %dot_general3A_1017, %add3A_1018 : vector<64x1024xf32>
    %logistic3A_1020 = arith.negf %add3A_1019 : vector<64x1024xf32>
    %logistic3A_1021 = math.exp %logistic3A_1020 : vector<64x1024xf32>
    %logistic3A_1022 = arith.constant 1.000000e+00 : f32
    %logistic3A_1023 = vector.broadcast %logistic3A_1022 : f32 to vector<64x1024xf32>
    %logistic3A_1024 = arith.addf %logistic3A_1023, %logistic3A_1021 : vector<64x1024xf32>
    %logistic3A_1025 = arith.divf %logistic3A_1023, %logistic3A_1024 : vector<64x1024xf32>
    %mul3A_1026 = arith.mulf %add3A_1019, %logistic3A_1025 : vector<64x1024xf32>
    %dot_general3A_1027 = arith.constant dense<0.000000e+00> : vector<64x1024xf32>
    %dot_general3A_1028 = tpu.matmul %get3A_7, %mul3A_1026, %dot_general3A_1027 {dimension_numbers = #tpu.dot_dimension_numbers<[1], [0], [0], [1], [0, 0, 1, 1], [], []>, transpose_lhs_hint = false} : vector<64x64xf32>, vector<64x1024xf32>, vector<64x1024xf32> -> vector<64x1024xf32>
    %add3A_1029 = vector.broadcast %get3A_10 : vector<64x1xf32> to vector<64x1024xf32>
    %add3A_1030 = arith.addf %dot_general3A_1028, %add3A_1029 : vector<64x1024xf32>
    %logistic3A_1031 = arith.negf %add3A_1030 : vector<64x1024xf32>
    %logistic3A_1032 = math.exp %logistic3A_1031 : vector<64x1024xf32>
    %logistic3A_1033 = arith.constant 1.000000e+00 : f32
    %logistic3A_1034 = vector.broadcast %logistic3A_1033 : f32 to vector<64x1024xf32>
    %logistic3A_1035 = arith.addf %logistic3A_1034, %logistic3A_1032 : vector<64x1024xf32>
    %logistic3A_1036 = arith.divf %logistic3A_1034, %logistic3A_1035 : vector<64x1024xf32>
    %mul3A_1037 = arith.mulf %add3A_1030, %logistic3A_1036 : vector<64x1024xf32>
    %slice3A_1038 = vector.extract_strided_slice %add3A_386 {offsets = [19, 0], sizes = [1, 1024], strides = [1, 1]} : vector<32x1024xf32> to vector<1x1024xf32>
    %mul3A_1039 = vector.broadcast %slice3A_1038 : vector<1x1024xf32> to vector<64x1024xf32>
    %mul3A_1040 = arith.mulf %mul3A_1037, %mul3A_1039 : vector<64x1024xf32>
    %reduce_sum3A_1041 = arith.constant dense<0.000000e+00> : vector<64xf32>
    %reduce_sum3A_1042 = vector.multi_reduction <add>, %mul3A_1040, %reduce_sum3A_1041 [1] : vector<64x1024xf32> to vector<64xf32>
    %broadcast_in_dim3A_1043 = vector.shape_cast %reduce_sum3A_1042 : vector<64xf32> to vector<64x1xf32>
    %get3A_1044 = arith.constant 0 : index
    %get3A_1045 = arith.constant 20 : index
    %get3A_1046 = arith.constant 0 : index
    %get3A_1047 = vector.load %arg1[%get3A_1044, %get3A_1045, %get3A_1046] : memref<15x32x1024xf32, #tpu.memory_space<vmem>>, vector<15x1x1024xf32>
    %get3A_1048 = vector.shape_cast %get3A_1047 : vector<15x1x1024xf32> to vector<15x1024xf32>
    %dot_general3A_1049 = arith.constant dense<0.000000e+00> : vector<64x1024xf32>
    %dot_general3A_1050 = tpu.matmul %get3A_1, %get3A_1048, %dot_general3A_1049 {dimension_numbers = #tpu.dot_dimension_numbers<[1], [0], [0], [1], [0, 0, 1, 1], [], []>, transpose_lhs_hint = false} : vector<64x15xf32>, vector<15x1024xf32>, vector<64x1024xf32> -> vector<64x1024xf32>
    %add3A_1051 = vector.broadcast %get3A_4 : vector<64x1xf32> to vector<64x1024xf32>
    %add3A_1052 = arith.addf %dot_general3A_1050, %add3A_1051 : vector<64x1024xf32>
    %logistic3A_1053 = arith.negf %add3A_1052 : vector<64x1024xf32>
    %logistic3A_1054 = math.exp %logistic3A_1053 : vector<64x1024xf32>
    %logistic3A_1055 = arith.constant 1.000000e+00 : f32
    %logistic3A_1056 = vector.broadcast %logistic3A_1055 : f32 to vector<64x1024xf32>
    %logistic3A_1057 = arith.addf %logistic3A_1056, %logistic3A_1054 : vector<64x1024xf32>
    %logistic3A_1058 = arith.divf %logistic3A_1056, %logistic3A_1057 : vector<64x1024xf32>
    %mul3A_1059 = arith.mulf %add3A_1052, %logistic3A_1058 : vector<64x1024xf32>
    %dot_general3A_1060 = arith.constant dense<0.000000e+00> : vector<64x1024xf32>
    %dot_general3A_1061 = tpu.matmul %get3A_7, %mul3A_1059, %dot_general3A_1060 {dimension_numbers = #tpu.dot_dimension_numbers<[1], [0], [0], [1], [0, 0, 1, 1], [], []>, transpose_lhs_hint = false} : vector<64x64xf32>, vector<64x1024xf32>, vector<64x1024xf32> -> vector<64x1024xf32>
    %add3A_1062 = vector.broadcast %get3A_10 : vector<64x1xf32> to vector<64x1024xf32>
    %add3A_1063 = arith.addf %dot_general3A_1061, %add3A_1062 : vector<64x1024xf32>
    %logistic3A_1064 = arith.negf %add3A_1063 : vector<64x1024xf32>
    %logistic3A_1065 = math.exp %logistic3A_1064 : vector<64x1024xf32>
    %logistic3A_1066 = arith.constant 1.000000e+00 : f32
    %logistic3A_1067 = vector.broadcast %logistic3A_1066 : f32 to vector<64x1024xf32>
    %logistic3A_1068 = arith.addf %logistic3A_1067, %logistic3A_1065 : vector<64x1024xf32>
    %logistic3A_1069 = arith.divf %logistic3A_1067, %logistic3A_1068 : vector<64x1024xf32>
    %mul3A_1070 = arith.mulf %add3A_1063, %logistic3A_1069 : vector<64x1024xf32>
    %slice3A_1071 = vector.extract_strided_slice %add3A_386 {offsets = [20, 0], sizes = [1, 1024], strides = [1, 1]} : vector<32x1024xf32> to vector<1x1024xf32>
    %mul3A_1072 = vector.broadcast %slice3A_1071 : vector<1x1024xf32> to vector<64x1024xf32>
    %mul3A_1073 = arith.mulf %mul3A_1070, %mul3A_1072 : vector<64x1024xf32>
    %reduce_sum3A_1074 = arith.constant dense<0.000000e+00> : vector<64xf32>
    %reduce_sum3A_1075 = vector.multi_reduction <add>, %mul3A_1073, %reduce_sum3A_1074 [1] : vector<64x1024xf32> to vector<64xf32>
    %broadcast_in_dim3A_1076 = vector.shape_cast %reduce_sum3A_1075 : vector<64xf32> to vector<64x1xf32>
    %get3A_1077 = arith.constant 0 : index
    %get3A_1078 = arith.constant 21 : index
    %get3A_1079 = arith.constant 0 : index
    %get3A_1080 = vector.load %arg1[%get3A_1077, %get3A_1078, %get3A_1079] : memref<15x32x1024xf32, #tpu.memory_space<vmem>>, vector<15x1x1024xf32>
    %get3A_1081 = vector.shape_cast %get3A_1080 : vector<15x1x1024xf32> to vector<15x1024xf32>
    %dot_general3A_1082 = arith.constant dense<0.000000e+00> : vector<64x1024xf32>
    %dot_general3A_1083 = tpu.matmul %get3A_1, %get3A_1081, %dot_general3A_1082 {dimension_numbers = #tpu.dot_dimension_numbers<[1], [0], [0], [1], [0, 0, 1, 1], [], []>, transpose_lhs_hint = false} : vector<64x15xf32>, vector<15x1024xf32>, vector<64x1024xf32> -> vector<64x1024xf32>
    %add3A_1084 = vector.broadcast %get3A_4 : vector<64x1xf32> to vector<64x1024xf32>
    %add3A_1085 = arith.addf %dot_general3A_1083, %add3A_1084 : vector<64x1024xf32>
    %logistic3A_1086 = arith.negf %add3A_1085 : vector<64x1024xf32>
    %logistic3A_1087 = math.exp %logistic3A_1086 : vector<64x1024xf32>
    %logistic3A_1088 = arith.constant 1.000000e+00 : f32
    %logistic3A_1089 = vector.broadcast %logistic3A_1088 : f32 to vector<64x1024xf32>
    %logistic3A_1090 = arith.addf %logistic3A_1089, %logistic3A_1087 : vector<64x1024xf32>
    %logistic3A_1091 = arith.divf %logistic3A_1089, %logistic3A_1090 : vector<64x1024xf32>
    %mul3A_1092 = arith.mulf %add3A_1085, %logistic3A_1091 : vector<64x1024xf32>
    %dot_general3A_1093 = arith.constant dense<0.000000e+00> : vector<64x1024xf32>
    %dot_general3A_1094 = tpu.matmul %get3A_7, %mul3A_1092, %dot_general3A_1093 {dimension_numbers = #tpu.dot_dimension_numbers<[1], [0], [0], [1], [0, 0, 1, 1], [], []>, transpose_lhs_hint = false} : vector<64x64xf32>, vector<64x1024xf32>, vector<64x1024xf32> -> vector<64x1024xf32>
    %add3A_1095 = vector.broadcast %get3A_10 : vector<64x1xf32> to vector<64x1024xf32>
    %add3A_1096 = arith.addf %dot_general3A_1094, %add3A_1095 : vector<64x1024xf32>
    %logistic3A_1097 = arith.negf %add3A_1096 : vector<64x1024xf32>
    %logistic3A_1098 = math.exp %logistic3A_1097 : vector<64x1024xf32>
    %logistic3A_1099 = arith.constant 1.000000e+00 : f32
    %logistic3A_1100 = vector.broadcast %logistic3A_1099 : f32 to vector<64x1024xf32>
    %logistic3A_1101 = arith.addf %logistic3A_1100, %logistic3A_1098 : vector<64x1024xf32>
    %logistic3A_1102 = arith.divf %logistic3A_1100, %logistic3A_1101 : vector<64x1024xf32>
    %mul3A_1103 = arith.mulf %add3A_1096, %logistic3A_1102 : vector<64x1024xf32>
    %slice3A_1104 = vector.extract_strided_slice %add3A_386 {offsets = [21, 0], sizes = [1, 1024], strides = [1, 1]} : vector<32x1024xf32> to vector<1x1024xf32>
    %mul3A_1105 = vector.broadcast %slice3A_1104 : vector<1x1024xf32> to vector<64x1024xf32>
    %mul3A_1106 = arith.mulf %mul3A_1103, %mul3A_1105 : vector<64x1024xf32>
    %reduce_sum3A_1107 = arith.constant dense<0.000000e+00> : vector<64xf32>
    %reduce_sum3A_1108 = vector.multi_reduction <add>, %mul3A_1106, %reduce_sum3A_1107 [1] : vector<64x1024xf32> to vector<64xf32>
    %broadcast_in_dim3A_1109 = vector.shape_cast %reduce_sum3A_1108 : vector<64xf32> to vector<64x1xf32>
    %get3A_1110 = arith.constant 0 : index
    %get3A_1111 = arith.constant 22 : index
    %get3A_1112 = arith.constant 0 : index
    %get3A_1113 = vector.load %arg1[%get3A_1110, %get3A_1111, %get3A_1112] : memref<15x32x1024xf32, #tpu.memory_space<vmem>>, vector<15x1x1024xf32>
    %get3A_1114 = vector.shape_cast %get3A_1113 : vector<15x1x1024xf32> to vector<15x1024xf32>
    %dot_general3A_1115 = arith.constant dense<0.000000e+00> : vector<64x1024xf32>
    %dot_general3A_1116 = tpu.matmul %get3A_1, %get3A_1114, %dot_general3A_1115 {dimension_numbers = #tpu.dot_dimension_numbers<[1], [0], [0], [1], [0, 0, 1, 1], [], []>, transpose_lhs_hint = false} : vector<64x15xf32>, vector<15x1024xf32>, vector<64x1024xf32> -> vector<64x1024xf32>
    %add3A_1117 = vector.broadcast %get3A_4 : vector<64x1xf32> to vector<64x1024xf32>
    %add3A_1118 = arith.addf %dot_general3A_1116, %add3A_1117 : vector<64x1024xf32>
    %logistic3A_1119 = arith.negf %add3A_1118 : vector<64x1024xf32>
    %logistic3A_1120 = math.exp %logistic3A_1119 : vector<64x1024xf32>
    %logistic3A_1121 = arith.constant 1.000000e+00 : f32
    %logistic3A_1122 = vector.broadcast %logistic3A_1121 : f32 to vector<64x1024xf32>
    %logistic3A_1123 = arith.addf %logistic3A_1122, %logistic3A_1120 : vector<64x1024xf32>
    %logistic3A_1124 = arith.divf %logistic3A_1122, %logistic3A_1123 : vector<64x1024xf32>
    %mul3A_1125 = arith.mulf %add3A_1118, %logistic3A_1124 : vector<64x1024xf32>
    %dot_general3A_1126 = arith.constant dense<0.000000e+00> : vector<64x1024xf32>
    %dot_general3A_1127 = tpu.matmul %get3A_7, %mul3A_1125, %dot_general3A_1126 {dimension_numbers = #tpu.dot_dimension_numbers<[1], [0], [0], [1], [0, 0, 1, 1], [], []>, transpose_lhs_hint = false} : vector<64x64xf32>, vector<64x1024xf32>, vector<64x1024xf32> -> vector<64x1024xf32>
    %add3A_1128 = vector.broadcast %get3A_10 : vector<64x1xf32> to vector<64x1024xf32>
    %add3A_1129 = arith.addf %dot_general3A_1127, %add3A_1128 : vector<64x1024xf32>
    %logistic3A_1130 = arith.negf %add3A_1129 : vector<64x1024xf32>
    %logistic3A_1131 = math.exp %logistic3A_1130 : vector<64x1024xf32>
    %logistic3A_1132 = arith.constant 1.000000e+00 : f32
    %logistic3A_1133 = vector.broadcast %logistic3A_1132 : f32 to vector<64x1024xf32>
    %logistic3A_1134 = arith.addf %logistic3A_1133, %logistic3A_1131 : vector<64x1024xf32>
    %logistic3A_1135 = arith.divf %logistic3A_1133, %logistic3A_1134 : vector<64x1024xf32>
    %mul3A_1136 = arith.mulf %add3A_1129, %logistic3A_1135 : vector<64x1024xf32>
    %slice3A_1137 = vector.extract_strided_slice %add3A_386 {offsets = [22, 0], sizes = [1, 1024], strides = [1, 1]} : vector<32x1024xf32> to vector<1x1024xf32>
    %mul3A_1138 = vector.broadcast %slice3A_1137 : vector<1x1024xf32> to vector<64x1024xf32>
    %mul3A_1139 = arith.mulf %mul3A_1136, %mul3A_1138 : vector<64x1024xf32>
    %reduce_sum3A_1140 = arith.constant dense<0.000000e+00> : vector<64xf32>
    %reduce_sum3A_1141 = vector.multi_reduction <add>, %mul3A_1139, %reduce_sum3A_1140 [1] : vector<64x1024xf32> to vector<64xf32>
    %broadcast_in_dim3A_1142 = vector.shape_cast %reduce_sum3A_1141 : vector<64xf32> to vector<64x1xf32>
    %get3A_1143 = arith.constant 0 : index
    %get3A_1144 = arith.constant 23 : index
    %get3A_1145 = arith.constant 0 : index
    %get3A_1146 = vector.load %arg1[%get3A_1143, %get3A_1144, %get3A_1145] : memref<15x32x1024xf32, #tpu.memory_space<vmem>>, vector<15x1x1024xf32>
    %get3A_1147 = vector.shape_cast %get3A_1146 : vector<15x1x1024xf32> to vector<15x1024xf32>
    %dot_general3A_1148 = arith.constant dense<0.000000e+00> : vector<64x1024xf32>
    %dot_general3A_1149 = tpu.matmul %get3A_1, %get3A_1147, %dot_general3A_1148 {dimension_numbers = #tpu.dot_dimension_numbers<[1], [0], [0], [1], [0, 0, 1, 1], [], []>, transpose_lhs_hint = false} : vector<64x15xf32>, vector<15x1024xf32>, vector<64x1024xf32> -> vector<64x1024xf32>
    %add3A_1150 = vector.broadcast %get3A_4 : vector<64x1xf32> to vector<64x1024xf32>
    %add3A_1151 = arith.addf %dot_general3A_1149, %add3A_1150 : vector<64x1024xf32>
    %logistic3A_1152 = arith.negf %add3A_1151 : vector<64x1024xf32>
    %logistic3A_1153 = math.exp %logistic3A_1152 : vector<64x1024xf32>
    %logistic3A_1154 = arith.constant 1.000000e+00 : f32
    %logistic3A_1155 = vector.broadcast %logistic3A_1154 : f32 to vector<64x1024xf32>
    %logistic3A_1156 = arith.addf %logistic3A_1155, %logistic3A_1153 : vector<64x1024xf32>
    %logistic3A_1157 = arith.divf %logistic3A_1155, %logistic3A_1156 : vector<64x1024xf32>
    %mul3A_1158 = arith.mulf %add3A_1151, %logistic3A_1157 : vector<64x1024xf32>
    %dot_general3A_1159 = arith.constant dense<0.000000e+00> : vector<64x1024xf32>
    %dot_general3A_1160 = tpu.matmul %get3A_7, %mul3A_1158, %dot_general3A_1159 {dimension_numbers = #tpu.dot_dimension_numbers<[1], [0], [0], [1], [0, 0, 1, 1], [], []>, transpose_lhs_hint = false} : vector<64x64xf32>, vector<64x1024xf32>, vector<64x1024xf32> -> vector<64x1024xf32>
    %add3A_1161 = vector.broadcast %get3A_10 : vector<64x1xf32> to vector<64x1024xf32>
    %add3A_1162 = arith.addf %dot_general3A_1160, %add3A_1161 : vector<64x1024xf32>
    %logistic3A_1163 = arith.negf %add3A_1162 : vector<64x1024xf32>
    %logistic3A_1164 = math.exp %logistic3A_1163 : vector<64x1024xf32>
    %logistic3A_1165 = arith.constant 1.000000e+00 : f32
    %logistic3A_1166 = vector.broadcast %logistic3A_1165 : f32 to vector<64x1024xf32>
    %logistic3A_1167 = arith.addf %logistic3A_1166, %logistic3A_1164 : vector<64x1024xf32>
    %logistic3A_1168 = arith.divf %logistic3A_1166, %logistic3A_1167 : vector<64x1024xf32>
    %mul3A_1169 = arith.mulf %add3A_1162, %logistic3A_1168 : vector<64x1024xf32>
    %slice3A_1170 = vector.extract_strided_slice %add3A_386 {offsets = [23, 0], sizes = [1, 1024], strides = [1, 1]} : vector<32x1024xf32> to vector<1x1024xf32>
    %mul3A_1171 = vector.broadcast %slice3A_1170 : vector<1x1024xf32> to vector<64x1024xf32>
    %mul3A_1172 = arith.mulf %mul3A_1169, %mul3A_1171 : vector<64x1024xf32>
    %reduce_sum3A_1173 = arith.constant dense<0.000000e+00> : vector<64xf32>
    %reduce_sum3A_1174 = vector.multi_reduction <add>, %mul3A_1172, %reduce_sum3A_1173 [1] : vector<64x1024xf32> to vector<64xf32>
    %broadcast_in_dim3A_1175 = vector.shape_cast %reduce_sum3A_1174 : vector<64xf32> to vector<64x1xf32>
    %get3A_1176 = arith.constant 0 : index
    %get3A_1177 = arith.constant 24 : index
    %get3A_1178 = arith.constant 0 : index
    %get3A_1179 = vector.load %arg1[%get3A_1176, %get3A_1177, %get3A_1178] : memref<15x32x1024xf32, #tpu.memory_space<vmem>>, vector<15x1x1024xf32>
    %get3A_1180 = vector.shape_cast %get3A_1179 : vector<15x1x1024xf32> to vector<15x1024xf32>
    %dot_general3A_1181 = arith.constant dense<0.000000e+00> : vector<64x1024xf32>
    %dot_general3A_1182 = tpu.matmul %get3A_1, %get3A_1180, %dot_general3A_1181 {dimension_numbers = #tpu.dot_dimension_numbers<[1], [0], [0], [1], [0, 0, 1, 1], [], []>, transpose_lhs_hint = false} : vector<64x15xf32>, vector<15x1024xf32>, vector<64x1024xf32> -> vector<64x1024xf32>
    %add3A_1183 = vector.broadcast %get3A_4 : vector<64x1xf32> to vector<64x1024xf32>
    %add3A_1184 = arith.addf %dot_general3A_1182, %add3A_1183 : vector<64x1024xf32>
    %logistic3A_1185 = arith.negf %add3A_1184 : vector<64x1024xf32>
    %logistic3A_1186 = math.exp %logistic3A_1185 : vector<64x1024xf32>
    %logistic3A_1187 = arith.constant 1.000000e+00 : f32
    %logistic3A_1188 = vector.broadcast %logistic3A_1187 : f32 to vector<64x1024xf32>
    %logistic3A_1189 = arith.addf %logistic3A_1188, %logistic3A_1186 : vector<64x1024xf32>
    %logistic3A_1190 = arith.divf %logistic3A_1188, %logistic3A_1189 : vector<64x1024xf32>
    %mul3A_1191 = arith.mulf %add3A_1184, %logistic3A_1190 : vector<64x1024xf32>
    %dot_general3A_1192 = arith.constant dense<0.000000e+00> : vector<64x1024xf32>
    %dot_general3A_1193 = tpu.matmul %get3A_7, %mul3A_1191, %dot_general3A_1192 {dimension_numbers = #tpu.dot_dimension_numbers<[1], [0], [0], [1], [0, 0, 1, 1], [], []>, transpose_lhs_hint = false} : vector<64x64xf32>, vector<64x1024xf32>, vector<64x1024xf32> -> vector<64x1024xf32>
    %add3A_1194 = vector.broadcast %get3A_10 : vector<64x1xf32> to vector<64x1024xf32>
    %add3A_1195 = arith.addf %dot_general3A_1193, %add3A_1194 : vector<64x1024xf32>
    %logistic3A_1196 = arith.negf %add3A_1195 : vector<64x1024xf32>
    %logistic3A_1197 = math.exp %logistic3A_1196 : vector<64x1024xf32>
    %logistic3A_1198 = arith.constant 1.000000e+00 : f32
    %logistic3A_1199 = vector.broadcast %logistic3A_1198 : f32 to vector<64x1024xf32>
    %logistic3A_1200 = arith.addf %logistic3A_1199, %logistic3A_1197 : vector<64x1024xf32>
    %logistic3A_1201 = arith.divf %logistic3A_1199, %logistic3A_1200 : vector<64x1024xf32>
    %mul3A_1202 = arith.mulf %add3A_1195, %logistic3A_1201 : vector<64x1024xf32>
    %slice3A_1203 = vector.extract_strided_slice %add3A_386 {offsets = [24, 0], sizes = [1, 1024], strides = [1, 1]} : vector<32x1024xf32> to vector<1x1024xf32>
    %mul3A_1204 = vector.broadcast %slice3A_1203 : vector<1x1024xf32> to vector<64x1024xf32>
    %mul3A_1205 = arith.mulf %mul3A_1202, %mul3A_1204 : vector<64x1024xf32>
    %reduce_sum3A_1206 = arith.constant dense<0.000000e+00> : vector<64xf32>
    %reduce_sum3A_1207 = vector.multi_reduction <add>, %mul3A_1205, %reduce_sum3A_1206 [1] : vector<64x1024xf32> to vector<64xf32>
    %broadcast_in_dim3A_1208 = vector.shape_cast %reduce_sum3A_1207 : vector<64xf32> to vector<64x1xf32>
    %get3A_1209 = arith.constant 0 : index
    %get3A_1210 = arith.constant 25 : index
    %get3A_1211 = arith.constant 0 : index
    %get3A_1212 = vector.load %arg1[%get3A_1209, %get3A_1210, %get3A_1211] : memref<15x32x1024xf32, #tpu.memory_space<vmem>>, vector<15x1x1024xf32>
    %get3A_1213 = vector.shape_cast %get3A_1212 : vector<15x1x1024xf32> to vector<15x1024xf32>
    %dot_general3A_1214 = arith.constant dense<0.000000e+00> : vector<64x1024xf32>
    %dot_general3A_1215 = tpu.matmul %get3A_1, %get3A_1213, %dot_general3A_1214 {dimension_numbers = #tpu.dot_dimension_numbers<[1], [0], [0], [1], [0, 0, 1, 1], [], []>, transpose_lhs_hint = false} : vector<64x15xf32>, vector<15x1024xf32>, vector<64x1024xf32> -> vector<64x1024xf32>
    %add3A_1216 = vector.broadcast %get3A_4 : vector<64x1xf32> to vector<64x1024xf32>
    %add3A_1217 = arith.addf %dot_general3A_1215, %add3A_1216 : vector<64x1024xf32>
    %logistic3A_1218 = arith.negf %add3A_1217 : vector<64x1024xf32>
    %logistic3A_1219 = math.exp %logistic3A_1218 : vector<64x1024xf32>
    %logistic3A_1220 = arith.constant 1.000000e+00 : f32
    %logistic3A_1221 = vector.broadcast %logistic3A_1220 : f32 to vector<64x1024xf32>
    %logistic3A_1222 = arith.addf %logistic3A_1221, %logistic3A_1219 : vector<64x1024xf32>
    %logistic3A_1223 = arith.divf %logistic3A_1221, %logistic3A_1222 : vector<64x1024xf32>
    %mul3A_1224 = arith.mulf %add3A_1217, %logistic3A_1223 : vector<64x1024xf32>
    %dot_general3A_1225 = arith.constant dense<0.000000e+00> : vector<64x1024xf32>
    %dot_general3A_1226 = tpu.matmul %get3A_7, %mul3A_1224, %dot_general3A_1225 {dimension_numbers = #tpu.dot_dimension_numbers<[1], [0], [0], [1], [0, 0, 1, 1], [], []>, transpose_lhs_hint = false} : vector<64x64xf32>, vector<64x1024xf32>, vector<64x1024xf32> -> vector<64x1024xf32>
    %add3A_1227 = vector.broadcast %get3A_10 : vector<64x1xf32> to vector<64x1024xf32>
    %add3A_1228 = arith.addf %dot_general3A_1226, %add3A_1227 : vector<64x1024xf32>
    %logistic3A_1229 = arith.negf %add3A_1228 : vector<64x1024xf32>
    %logistic3A_1230 = math.exp %logistic3A_1229 : vector<64x1024xf32>
    %logistic3A_1231 = arith.constant 1.000000e+00 : f32
    %logistic3A_1232 = vector.broadcast %logistic3A_1231 : f32 to vector<64x1024xf32>
    %logistic3A_1233 = arith.addf %logistic3A_1232, %logistic3A_1230 : vector<64x1024xf32>
    %logistic3A_1234 = arith.divf %logistic3A_1232, %logistic3A_1233 : vector<64x1024xf32>
    %mul3A_1235 = arith.mulf %add3A_1228, %logistic3A_1234 : vector<64x1024xf32>
    %slice3A_1236 = vector.extract_strided_slice %add3A_386 {offsets = [25, 0], sizes = [1, 1024], strides = [1, 1]} : vector<32x1024xf32> to vector<1x1024xf32>
    %mul3A_1237 = vector.broadcast %slice3A_1236 : vector<1x1024xf32> to vector<64x1024xf32>
    %mul3A_1238 = arith.mulf %mul3A_1235, %mul3A_1237 : vector<64x1024xf32>
    %reduce_sum3A_1239 = arith.constant dense<0.000000e+00> : vector<64xf32>
    %reduce_sum3A_1240 = vector.multi_reduction <add>, %mul3A_1238, %reduce_sum3A_1239 [1] : vector<64x1024xf32> to vector<64xf32>
    %broadcast_in_dim3A_1241 = vector.shape_cast %reduce_sum3A_1240 : vector<64xf32> to vector<64x1xf32>
    %get3A_1242 = arith.constant 0 : index
    %get3A_1243 = arith.constant 26 : index
    %get3A_1244 = arith.constant 0 : index
    %get3A_1245 = vector.load %arg1[%get3A_1242, %get3A_1243, %get3A_1244] : memref<15x32x1024xf32, #tpu.memory_space<vmem>>, vector<15x1x1024xf32>
    %get3A_1246 = vector.shape_cast %get3A_1245 : vector<15x1x1024xf32> to vector<15x1024xf32>
    %dot_general3A_1247 = arith.constant dense<0.000000e+00> : vector<64x1024xf32>
    %dot_general3A_1248 = tpu.matmul %get3A_1, %get3A_1246, %dot_general3A_1247 {dimension_numbers = #tpu.dot_dimension_numbers<[1], [0], [0], [1], [0, 0, 1, 1], [], []>, transpose_lhs_hint = false} : vector<64x15xf32>, vector<15x1024xf32>, vector<64x1024xf32> -> vector<64x1024xf32>
    %add3A_1249 = vector.broadcast %get3A_4 : vector<64x1xf32> to vector<64x1024xf32>
    %add3A_1250 = arith.addf %dot_general3A_1248, %add3A_1249 : vector<64x1024xf32>
    %logistic3A_1251 = arith.negf %add3A_1250 : vector<64x1024xf32>
    %logistic3A_1252 = math.exp %logistic3A_1251 : vector<64x1024xf32>
    %logistic3A_1253 = arith.constant 1.000000e+00 : f32
    %logistic3A_1254 = vector.broadcast %logistic3A_1253 : f32 to vector<64x1024xf32>
    %logistic3A_1255 = arith.addf %logistic3A_1254, %logistic3A_1252 : vector<64x1024xf32>
    %logistic3A_1256 = arith.divf %logistic3A_1254, %logistic3A_1255 : vector<64x1024xf32>
    %mul3A_1257 = arith.mulf %add3A_1250, %logistic3A_1256 : vector<64x1024xf32>
    %dot_general3A_1258 = arith.constant dense<0.000000e+00> : vector<64x1024xf32>
    %dot_general3A_1259 = tpu.matmul %get3A_7, %mul3A_1257, %dot_general3A_1258 {dimension_numbers = #tpu.dot_dimension_numbers<[1], [0], [0], [1], [0, 0, 1, 1], [], []>, transpose_lhs_hint = false} : vector<64x64xf32>, vector<64x1024xf32>, vector<64x1024xf32> -> vector<64x1024xf32>
    %add3A_1260 = vector.broadcast %get3A_10 : vector<64x1xf32> to vector<64x1024xf32>
    %add3A_1261 = arith.addf %dot_general3A_1259, %add3A_1260 : vector<64x1024xf32>
    %logistic3A_1262 = arith.negf %add3A_1261 : vector<64x1024xf32>
    %logistic3A_1263 = math.exp %logistic3A_1262 : vector<64x1024xf32>
    %logistic3A_1264 = arith.constant 1.000000e+00 : f32
    %logistic3A_1265 = vector.broadcast %logistic3A_1264 : f32 to vector<64x1024xf32>
    %logistic3A_1266 = arith.addf %logistic3A_1265, %logistic3A_1263 : vector<64x1024xf32>
    %logistic3A_1267 = arith.divf %logistic3A_1265, %logistic3A_1266 : vector<64x1024xf32>
    %mul3A_1268 = arith.mulf %add3A_1261, %logistic3A_1267 : vector<64x1024xf32>
    %slice3A_1269 = vector.extract_strided_slice %add3A_386 {offsets = [26, 0], sizes = [1, 1024], strides = [1, 1]} : vector<32x1024xf32> to vector<1x1024xf32>
    %mul3A_1270 = vector.broadcast %slice3A_1269 : vector<1x1024xf32> to vector<64x1024xf32>
    %mul3A_1271 = arith.mulf %mul3A_1268, %mul3A_1270 : vector<64x1024xf32>
    %reduce_sum3A_1272 = arith.constant dense<0.000000e+00> : vector<64xf32>
    %reduce_sum3A_1273 = vector.multi_reduction <add>, %mul3A_1271, %reduce_sum3A_1272 [1] : vector<64x1024xf32> to vector<64xf32>
    %broadcast_in_dim3A_1274 = vector.shape_cast %reduce_sum3A_1273 : vector<64xf32> to vector<64x1xf32>
    %get3A_1275 = arith.constant 0 : index
    %get3A_1276 = arith.constant 27 : index
    %get3A_1277 = arith.constant 0 : index
    %get3A_1278 = vector.load %arg1[%get3A_1275, %get3A_1276, %get3A_1277] : memref<15x32x1024xf32, #tpu.memory_space<vmem>>, vector<15x1x1024xf32>
    %get3A_1279 = vector.shape_cast %get3A_1278 : vector<15x1x1024xf32> to vector<15x1024xf32>
    %dot_general3A_1280 = arith.constant dense<0.000000e+00> : vector<64x1024xf32>
    %dot_general3A_1281 = tpu.matmul %get3A_1, %get3A_1279, %dot_general3A_1280 {dimension_numbers = #tpu.dot_dimension_numbers<[1], [0], [0], [1], [0, 0, 1, 1], [], []>, transpose_lhs_hint = false} : vector<64x15xf32>, vector<15x1024xf32>, vector<64x1024xf32> -> vector<64x1024xf32>
    %add3A_1282 = vector.broadcast %get3A_4 : vector<64x1xf32> to vector<64x1024xf32>
    %add3A_1283 = arith.addf %dot_general3A_1281, %add3A_1282 : vector<64x1024xf32>
    %logistic3A_1284 = arith.negf %add3A_1283 : vector<64x1024xf32>
    %logistic3A_1285 = math.exp %logistic3A_1284 : vector<64x1024xf32>
    %logistic3A_1286 = arith.constant 1.000000e+00 : f32
    %logistic3A_1287 = vector.broadcast %logistic3A_1286 : f32 to vector<64x1024xf32>
    %logistic3A_1288 = arith.addf %logistic3A_1287, %logistic3A_1285 : vector<64x1024xf32>
    %logistic3A_1289 = arith.divf %logistic3A_1287, %logistic3A_1288 : vector<64x1024xf32>
    %mul3A_1290 = arith.mulf %add3A_1283, %logistic3A_1289 : vector<64x1024xf32>
    %dot_general3A_1291 = arith.constant dense<0.000000e+00> : vector<64x1024xf32>
    %dot_general3A_1292 = tpu.matmul %get3A_7, %mul3A_1290, %dot_general3A_1291 {dimension_numbers = #tpu.dot_dimension_numbers<[1], [0], [0], [1], [0, 0, 1, 1], [], []>, transpose_lhs_hint = false} : vector<64x64xf32>, vector<64x1024xf32>, vector<64x1024xf32> -> vector<64x1024xf32>
    %add3A_1293 = vector.broadcast %get3A_10 : vector<64x1xf32> to vector<64x1024xf32>
    %add3A_1294 = arith.addf %dot_general3A_1292, %add3A_1293 : vector<64x1024xf32>
    %logistic3A_1295 = arith.negf %add3A_1294 : vector<64x1024xf32>
    %logistic3A_1296 = math.exp %logistic3A_1295 : vector<64x1024xf32>
    %logistic3A_1297 = arith.constant 1.000000e+00 : f32
    %logistic3A_1298 = vector.broadcast %logistic3A_1297 : f32 to vector<64x1024xf32>
    %logistic3A_1299 = arith.addf %logistic3A_1298, %logistic3A_1296 : vector<64x1024xf32>
    %logistic3A_1300 = arith.divf %logistic3A_1298, %logistic3A_1299 : vector<64x1024xf32>
    %mul3A_1301 = arith.mulf %add3A_1294, %logistic3A_1300 : vector<64x1024xf32>
    %slice3A_1302 = vector.extract_strided_slice %add3A_386 {offsets = [27, 0], sizes = [1, 1024], strides = [1, 1]} : vector<32x1024xf32> to vector<1x1024xf32>
    %mul3A_1303 = vector.broadcast %slice3A_1302 : vector<1x1024xf32> to vector<64x1024xf32>
    %mul3A_1304 = arith.mulf %mul3A_1301, %mul3A_1303 : vector<64x1024xf32>
    %reduce_sum3A_1305 = arith.constant dense<0.000000e+00> : vector<64xf32>
    %reduce_sum3A_1306 = vector.multi_reduction <add>, %mul3A_1304, %reduce_sum3A_1305 [1] : vector<64x1024xf32> to vector<64xf32>
    %broadcast_in_dim3A_1307 = vector.shape_cast %reduce_sum3A_1306 : vector<64xf32> to vector<64x1xf32>
    %get3A_1308 = arith.constant 0 : index
    %get3A_1309 = arith.constant 28 : index
    %get3A_1310 = arith.constant 0 : index
    %get3A_1311 = vector.load %arg1[%get3A_1308, %get3A_1309, %get3A_1310] : memref<15x32x1024xf32, #tpu.memory_space<vmem>>, vector<15x1x1024xf32>
    %get3A_1312 = vector.shape_cast %get3A_1311 : vector<15x1x1024xf32> to vector<15x1024xf32>
    %dot_general3A_1313 = arith.constant dense<0.000000e+00> : vector<64x1024xf32>
    %dot_general3A_1314 = tpu.matmul %get3A_1, %get3A_1312, %dot_general3A_1313 {dimension_numbers = #tpu.dot_dimension_numbers<[1], [0], [0], [1], [0, 0, 1, 1], [], []>, transpose_lhs_hint = false} : vector<64x15xf32>, vector<15x1024xf32>, vector<64x1024xf32> -> vector<64x1024xf32>
    %add3A_1315 = vector.broadcast %get3A_4 : vector<64x1xf32> to vector<64x1024xf32>
    %add3A_1316 = arith.addf %dot_general3A_1314, %add3A_1315 : vector<64x1024xf32>
    %logistic3A_1317 = arith.negf %add3A_1316 : vector<64x1024xf32>
    %logistic3A_1318 = math.exp %logistic3A_1317 : vector<64x1024xf32>
    %logistic3A_1319 = arith.constant 1.000000e+00 : f32
    %logistic3A_1320 = vector.broadcast %logistic3A_1319 : f32 to vector<64x1024xf32>
    %logistic3A_1321 = arith.addf %logistic3A_1320, %logistic3A_1318 : vector<64x1024xf32>
    %logistic3A_1322 = arith.divf %logistic3A_1320, %logistic3A_1321 : vector<64x1024xf32>
    %mul3A_1323 = arith.mulf %add3A_1316, %logistic3A_1322 : vector<64x1024xf32>
    %dot_general3A_1324 = arith.constant dense<0.000000e+00> : vector<64x1024xf32>
    %dot_general3A_1325 = tpu.matmul %get3A_7, %mul3A_1323, %dot_general3A_1324 {dimension_numbers = #tpu.dot_dimension_numbers<[1], [0], [0], [1], [0, 0, 1, 1], [], []>, transpose_lhs_hint = false} : vector<64x64xf32>, vector<64x1024xf32>, vector<64x1024xf32> -> vector<64x1024xf32>
    %add3A_1326 = vector.broadcast %get3A_10 : vector<64x1xf32> to vector<64x1024xf32>
    %add3A_1327 = arith.addf %dot_general3A_1325, %add3A_1326 : vector<64x1024xf32>
    %logistic3A_1328 = arith.negf %add3A_1327 : vector<64x1024xf32>
    %logistic3A_1329 = math.exp %logistic3A_1328 : vector<64x1024xf32>
    %logistic3A_1330 = arith.constant 1.000000e+00 : f32
    %logistic3A_1331 = vector.broadcast %logistic3A_1330 : f32 to vector<64x1024xf32>
    %logistic3A_1332 = arith.addf %logistic3A_1331, %logistic3A_1329 : vector<64x1024xf32>
    %logistic3A_1333 = arith.divf %logistic3A_1331, %logistic3A_1332 : vector<64x1024xf32>
    %mul3A_1334 = arith.mulf %add3A_1327, %logistic3A_1333 : vector<64x1024xf32>
    %slice3A_1335 = vector.extract_strided_slice %add3A_386 {offsets = [28, 0], sizes = [1, 1024], strides = [1, 1]} : vector<32x1024xf32> to vector<1x1024xf32>
    %mul3A_1336 = vector.broadcast %slice3A_1335 : vector<1x1024xf32> to vector<64x1024xf32>
    %mul3A_1337 = arith.mulf %mul3A_1334, %mul3A_1336 : vector<64x1024xf32>
    %reduce_sum3A_1338 = arith.constant dense<0.000000e+00> : vector<64xf32>
    %reduce_sum3A_1339 = vector.multi_reduction <add>, %mul3A_1337, %reduce_sum3A_1338 [1] : vector<64x1024xf32> to vector<64xf32>
    %broadcast_in_dim3A_1340 = vector.shape_cast %reduce_sum3A_1339 : vector<64xf32> to vector<64x1xf32>
    %get3A_1341 = arith.constant 0 : index
    %get3A_1342 = arith.constant 29 : index
    %get3A_1343 = arith.constant 0 : index
    %get3A_1344 = vector.load %arg1[%get3A_1341, %get3A_1342, %get3A_1343] : memref<15x32x1024xf32, #tpu.memory_space<vmem>>, vector<15x1x1024xf32>
    %get3A_1345 = vector.shape_cast %get3A_1344 : vector<15x1x1024xf32> to vector<15x1024xf32>
    %dot_general3A_1346 = arith.constant dense<0.000000e+00> : vector<64x1024xf32>
    %dot_general3A_1347 = tpu.matmul %get3A_1, %get3A_1345, %dot_general3A_1346 {dimension_numbers = #tpu.dot_dimension_numbers<[1], [0], [0], [1], [0, 0, 1, 1], [], []>, transpose_lhs_hint = false} : vector<64x15xf32>, vector<15x1024xf32>, vector<64x1024xf32> -> vector<64x1024xf32>
    %add3A_1348 = vector.broadcast %get3A_4 : vector<64x1xf32> to vector<64x1024xf32>
    %add3A_1349 = arith.addf %dot_general3A_1347, %add3A_1348 : vector<64x1024xf32>
    %logistic3A_1350 = arith.negf %add3A_1349 : vector<64x1024xf32>
    %logistic3A_1351 = math.exp %logistic3A_1350 : vector<64x1024xf32>
    %logistic3A_1352 = arith.constant 1.000000e+00 : f32
    %logistic3A_1353 = vector.broadcast %logistic3A_1352 : f32 to vector<64x1024xf32>
    %logistic3A_1354 = arith.addf %logistic3A_1353, %logistic3A_1351 : vector<64x1024xf32>
    %logistic3A_1355 = arith.divf %logistic3A_1353, %logistic3A_1354 : vector<64x1024xf32>
    %mul3A_1356 = arith.mulf %add3A_1349, %logistic3A_1355 : vector<64x1024xf32>
    %dot_general3A_1357 = arith.constant dense<0.000000e+00> : vector<64x1024xf32>
    %dot_general3A_1358 = tpu.matmul %get3A_7, %mul3A_1356, %dot_general3A_1357 {dimension_numbers = #tpu.dot_dimension_numbers<[1], [0], [0], [1], [0, 0, 1, 1], [], []>, transpose_lhs_hint = false} : vector<64x64xf32>, vector<64x1024xf32>, vector<64x1024xf32> -> vector<64x1024xf32>
    %add3A_1359 = vector.broadcast %get3A_10 : vector<64x1xf32> to vector<64x1024xf32>
    %add3A_1360 = arith.addf %dot_general3A_1358, %add3A_1359 : vector<64x1024xf32>
    %logistic3A_1361 = arith.negf %add3A_1360 : vector<64x1024xf32>
    %logistic3A_1362 = math.exp %logistic3A_1361 : vector<64x1024xf32>
    %logistic3A_1363 = arith.constant 1.000000e+00 : f32
    %logistic3A_1364 = vector.broadcast %logistic3A_1363 : f32 to vector<64x1024xf32>
    %logistic3A_1365 = arith.addf %logistic3A_1364, %logistic3A_1362 : vector<64x1024xf32>
    %logistic3A_1366 = arith.divf %logistic3A_1364, %logistic3A_1365 : vector<64x1024xf32>
    %mul3A_1367 = arith.mulf %add3A_1360, %logistic3A_1366 : vector<64x1024xf32>
    %slice3A_1368 = vector.extract_strided_slice %add3A_386 {offsets = [29, 0], sizes = [1, 1024], strides = [1, 1]} : vector<32x1024xf32> to vector<1x1024xf32>
    %mul3A_1369 = vector.broadcast %slice3A_1368 : vector<1x1024xf32> to vector<64x1024xf32>
    %mul3A_1370 = arith.mulf %mul3A_1367, %mul3A_1369 : vector<64x1024xf32>
    %reduce_sum3A_1371 = arith.constant dense<0.000000e+00> : vector<64xf32>
    %reduce_sum3A_1372 = vector.multi_reduction <add>, %mul3A_1370, %reduce_sum3A_1371 [1] : vector<64x1024xf32> to vector<64xf32>
    %broadcast_in_dim3A_1373 = vector.shape_cast %reduce_sum3A_1372 : vector<64xf32> to vector<64x1xf32>
    %get3A_1374 = arith.constant 0 : index
    %get3A_1375 = arith.constant 30 : index
    %get3A_1376 = arith.constant 0 : index
    %get3A_1377 = vector.load %arg1[%get3A_1374, %get3A_1375, %get3A_1376] : memref<15x32x1024xf32, #tpu.memory_space<vmem>>, vector<15x1x1024xf32>
    %get3A_1378 = vector.shape_cast %get3A_1377 : vector<15x1x1024xf32> to vector<15x1024xf32>
    %dot_general3A_1379 = arith.constant dense<0.000000e+00> : vector<64x1024xf32>
    %dot_general3A_1380 = tpu.matmul %get3A_1, %get3A_1378, %dot_general3A_1379 {dimension_numbers = #tpu.dot_dimension_numbers<[1], [0], [0], [1], [0, 0, 1, 1], [], []>, transpose_lhs_hint = false} : vector<64x15xf32>, vector<15x1024xf32>, vector<64x1024xf32> -> vector<64x1024xf32>
    %add3A_1381 = vector.broadcast %get3A_4 : vector<64x1xf32> to vector<64x1024xf32>
    %add3A_1382 = arith.addf %dot_general3A_1380, %add3A_1381 : vector<64x1024xf32>
    %logistic3A_1383 = arith.negf %add3A_1382 : vector<64x1024xf32>
    %logistic3A_1384 = math.exp %logistic3A_1383 : vector<64x1024xf32>
    %logistic3A_1385 = arith.constant 1.000000e+00 : f32
    %logistic3A_1386 = vector.broadcast %logistic3A_1385 : f32 to vector<64x1024xf32>
    %logistic3A_1387 = arith.addf %logistic3A_1386, %logistic3A_1384 : vector<64x1024xf32>
    %logistic3A_1388 = arith.divf %logistic3A_1386, %logistic3A_1387 : vector<64x1024xf32>
    %mul3A_1389 = arith.mulf %add3A_1382, %logistic3A_1388 : vector<64x1024xf32>
    %dot_general3A_1390 = arith.constant dense<0.000000e+00> : vector<64x1024xf32>
    %dot_general3A_1391 = tpu.matmul %get3A_7, %mul3A_1389, %dot_general3A_1390 {dimension_numbers = #tpu.dot_dimension_numbers<[1], [0], [0], [1], [0, 0, 1, 1], [], []>, transpose_lhs_hint = false} : vector<64x64xf32>, vector<64x1024xf32>, vector<64x1024xf32> -> vector<64x1024xf32>
    %add3A_1392 = vector.broadcast %get3A_10 : vector<64x1xf32> to vector<64x1024xf32>
    %add3A_1393 = arith.addf %dot_general3A_1391, %add3A_1392 : vector<64x1024xf32>
    %logistic3A_1394 = arith.negf %add3A_1393 : vector<64x1024xf32>
    %logistic3A_1395 = math.exp %logistic3A_1394 : vector<64x1024xf32>
    %logistic3A_1396 = arith.constant 1.000000e+00 : f32
    %logistic3A_1397 = vector.broadcast %logistic3A_1396 : f32 to vector<64x1024xf32>
    %logistic3A_1398 = arith.addf %logistic3A_1397, %logistic3A_1395 : vector<64x1024xf32>
    %logistic3A_1399 = arith.divf %logistic3A_1397, %logistic3A_1398 : vector<64x1024xf32>
    %mul3A_1400 = arith.mulf %add3A_1393, %logistic3A_1399 : vector<64x1024xf32>
    %slice3A_1401 = vector.extract_strided_slice %add3A_386 {offsets = [30, 0], sizes = [1, 1024], strides = [1, 1]} : vector<32x1024xf32> to vector<1x1024xf32>
    %mul3A_1402 = vector.broadcast %slice3A_1401 : vector<1x1024xf32> to vector<64x1024xf32>
    %mul3A_1403 = arith.mulf %mul3A_1400, %mul3A_1402 : vector<64x1024xf32>
    %reduce_sum3A_1404 = arith.constant dense<0.000000e+00> : vector<64xf32>
    %reduce_sum3A_1405 = vector.multi_reduction <add>, %mul3A_1403, %reduce_sum3A_1404 [1] : vector<64x1024xf32> to vector<64xf32>
    %broadcast_in_dim3A_1406 = vector.shape_cast %reduce_sum3A_1405 : vector<64xf32> to vector<64x1xf32>
    %get3A_1407 = arith.constant 0 : index
    %get3A_1408 = arith.constant 31 : index
    %get3A_1409 = arith.constant 0 : index
    %get3A_1410 = vector.load %arg1[%get3A_1407, %get3A_1408, %get3A_1409] : memref<15x32x1024xf32, #tpu.memory_space<vmem>>, vector<15x1x1024xf32>
    %get3A_1411 = vector.shape_cast %get3A_1410 : vector<15x1x1024xf32> to vector<15x1024xf32>
    %dot_general3A_1412 = arith.constant dense<0.000000e+00> : vector<64x1024xf32>
    %dot_general3A_1413 = tpu.matmul %get3A_1, %get3A_1411, %dot_general3A_1412 {dimension_numbers = #tpu.dot_dimension_numbers<[1], [0], [0], [1], [0, 0, 1, 1], [], []>, transpose_lhs_hint = false} : vector<64x15xf32>, vector<15x1024xf32>, vector<64x1024xf32> -> vector<64x1024xf32>
    %add3A_1414 = vector.broadcast %get3A_4 : vector<64x1xf32> to vector<64x1024xf32>
    %add3A_1415 = arith.addf %dot_general3A_1413, %add3A_1414 : vector<64x1024xf32>
    %logistic3A_1416 = arith.negf %add3A_1415 : vector<64x1024xf32>
    %logistic3A_1417 = math.exp %logistic3A_1416 : vector<64x1024xf32>
    %logistic3A_1418 = arith.constant 1.000000e+00 : f32
    %logistic3A_1419 = vector.broadcast %logistic3A_1418 : f32 to vector<64x1024xf32>
    %logistic3A_1420 = arith.addf %logistic3A_1419, %logistic3A_1417 : vector<64x1024xf32>
    %logistic3A_1421 = arith.divf %logistic3A_1419, %logistic3A_1420 : vector<64x1024xf32>
    %mul3A_1422 = arith.mulf %add3A_1415, %logistic3A_1421 : vector<64x1024xf32>
    %dot_general3A_1423 = arith.constant dense<0.000000e+00> : vector<64x1024xf32>
    %dot_general3A_1424 = tpu.matmul %get3A_7, %mul3A_1422, %dot_general3A_1423 {dimension_numbers = #tpu.dot_dimension_numbers<[1], [0], [0], [1], [0, 0, 1, 1], [], []>, transpose_lhs_hint = false} : vector<64x64xf32>, vector<64x1024xf32>, vector<64x1024xf32> -> vector<64x1024xf32>
    %add3A_1425 = vector.broadcast %get3A_10 : vector<64x1xf32> to vector<64x1024xf32>
    %add3A_1426 = arith.addf %dot_general3A_1424, %add3A_1425 : vector<64x1024xf32>
    %logistic3A_1427 = arith.negf %add3A_1426 : vector<64x1024xf32>
    %logistic3A_1428 = math.exp %logistic3A_1427 : vector<64x1024xf32>
    %logistic3A_1429 = arith.constant 1.000000e+00 : f32
    %logistic3A_1430 = vector.broadcast %logistic3A_1429 : f32 to vector<64x1024xf32>
    %logistic3A_1431 = arith.addf %logistic3A_1430, %logistic3A_1428 : vector<64x1024xf32>
    %logistic3A_1432 = arith.divf %logistic3A_1430, %logistic3A_1431 : vector<64x1024xf32>
    %mul3A_1433 = arith.mulf %add3A_1426, %logistic3A_1432 : vector<64x1024xf32>
    %slice3A_1434 = vector.extract_strided_slice %add3A_386 {offsets = [31, 0], sizes = [1, 1024], strides = [1, 1]} : vector<32x1024xf32> to vector<1x1024xf32>
    %mul3A_1435 = vector.broadcast %slice3A_1434 : vector<1x1024xf32> to vector<64x1024xf32>
    %mul3A_1436 = arith.mulf %mul3A_1433, %mul3A_1435 : vector<64x1024xf32>
    %reduce_sum3A_1437 = arith.constant dense<0.000000e+00> : vector<64xf32>
    %reduce_sum3A_1438 = vector.multi_reduction <add>, %mul3A_1436, %reduce_sum3A_1437 [1] : vector<64x1024xf32> to vector<64xf32>
    %broadcast_in_dim3A_1439 = vector.shape_cast %reduce_sum3A_1438 : vector<64xf32> to vector<64x1xf32>
    %concatenate3A = tpu.concatenate %broadcast_in_dim3A, %broadcast_in_dim3A_449, %broadcast_in_dim3A_482, %broadcast_in_dim3A_515, %broadcast_in_dim3A_548, %broadcast_in_dim3A_581, %broadcast_in_dim3A_614, %broadcast_in_dim3A_647, %broadcast_in_dim3A_680, %broadcast_in_dim3A_713, %broadcast_in_dim3A_746, %broadcast_in_dim3A_779, %broadcast_in_dim3A_812, %broadcast_in_dim3A_845, %broadcast_in_dim3A_878, %broadcast_in_dim3A_911, %broadcast_in_dim3A_944, %broadcast_in_dim3A_977, %broadcast_in_dim3A_1010, %broadcast_in_dim3A_1043, %broadcast_in_dim3A_1076, %broadcast_in_dim3A_1109, %broadcast_in_dim3A_1142, %broadcast_in_dim3A_1175, %broadcast_in_dim3A_1208, %broadcast_in_dim3A_1241, %broadcast_in_dim3A_1274, %broadcast_in_dim3A_1307, %broadcast_in_dim3A_1340, %broadcast_in_dim3A_1373, %broadcast_in_dim3A_1406, %broadcast_in_dim3A_1439 in 1 : vector<64x1xf32>, vector<64x1xf32>, vector<64x1xf32>, vector<64x1xf32>, vector<64x1xf32>, vector<64x1xf32>, vector<64x1xf32>, vector<64x1xf32>, vector<64x1xf32>, vector<64x1xf32>, vector<64x1xf32>, vector<64x1xf32>, vector<64x1xf32>, vector<64x1xf32>, vector<64x1xf32>, vector<64x1xf32>, vector<64x1xf32>, vector<64x1xf32>, vector<64x1xf32>, vector<64x1xf32>, vector<64x1xf32>, vector<64x1xf32>, vector<64x1xf32>, vector<64x1xf32>, vector<64x1xf32>, vector<64x1xf32>, vector<64x1xf32>, vector<64x1xf32>, vector<64x1xf32>, vector<64x1xf32>, vector<64x1xf32>, vector<64x1xf32> -> vector<64x32xf32>
    %get3A_1440 = arith.constant 0 : index
    %get3A_1441 = arith.constant 0 : index
    %get3A_1442 = vector.load %arg13[%get3A_1440, %get3A_1441] : memref<64x64xf32, #tpu.memory_space<vmem>>, vector<64x64xf32>
    %dot_general3A_1443 = arith.constant dense<0.000000e+00> : vector<64x32xf32>
    %dot_general3A_1444 = tpu.matmul %get3A_1442, %concatenate3A, %dot_general3A_1443 {dimension_numbers = #tpu.dot_dimension_numbers<[1], [0], [0], [1], [0, 0, 1, 1], [], []>, transpose_lhs_hint = false} : vector<64x64xf32>, vector<64x32xf32>, vector<64x32xf32> -> vector<64x32xf32>
    %get3A_1445 = arith.constant 0 : index
    %get3A_1446 = arith.constant 0 : index
    %get3A_1447 = vector.load %arg14[%get3A_1445, %get3A_1446] : memref<64x1xf32, #tpu.memory_space<vmem>>, vector<64x1xf32>
    %add3A_1448 = vector.broadcast %get3A_1447 : vector<64x1xf32> to vector<64x32xf32>
    %add3A_1449 = arith.addf %dot_general3A_1444, %add3A_1448 : vector<64x32xf32>
    %logistic3A_1450 = arith.negf %add3A_1449 : vector<64x32xf32>
    %logistic3A_1451 = math.exp %logistic3A_1450 : vector<64x32xf32>
    %logistic3A_1452 = arith.constant 1.000000e+00 : f32
    %logistic3A_1453 = vector.broadcast %logistic3A_1452 : f32 to vector<64x32xf32>
    %logistic3A_1454 = arith.addf %logistic3A_1453, %logistic3A_1451 : vector<64x32xf32>
    %logistic3A_1455 = arith.divf %logistic3A_1453, %logistic3A_1454 : vector<64x32xf32>
    %mul3A_1456 = arith.mulf %add3A_1449, %logistic3A_1455 : vector<64x32xf32>
    %get3A_1457 = arith.constant 0 : index
    %get3A_1458 = arith.constant 0 : index
    %get3A_1459 = vector.load %arg15[%get3A_1457, %get3A_1458] : memref<6x64xf32, #tpu.memory_space<vmem>>, vector<6x64xf32>
    %dot_general3A_1460 = arith.constant dense<0.000000e+00> : vector<6x32xf32>
    %dot_general3A_1461 = tpu.matmul %get3A_1459, %mul3A_1456, %dot_general3A_1460 {dimension_numbers = #tpu.dot_dimension_numbers<[1], [0], [0], [1], [0, 0, 1, 1], [], []>, transpose_lhs_hint = false} : vector<6x64xf32>, vector<64x32xf32>, vector<6x32xf32> -> vector<6x32xf32>
    %get3A_1462 = arith.constant 0 : index
    %get3A_1463 = arith.constant 0 : index
    %get3A_1464 = vector.load %arg16[%get3A_1462, %get3A_1463] : memref<6x1xf32, #tpu.memory_space<vmem>>, vector<6x1xf32>
    %add3A_1465 = vector.broadcast %get3A_1464 : vector<6x1xf32> to vector<6x32xf32>
    %add3A_1466 = arith.addf %dot_general3A_1461, %add3A_1465 : vector<6x32xf32>
    %swap3A = arith.constant 0 : index
    %swap3A_1467 = arith.constant 0 : index
    %swap3A_1468 = arith.constant 0 : index
    %swap3A_1469 = vector.load %arg17[%swap3A, %swap3A_1467, %swap3A_1468] : memref<1x6x32xf32, #tpu.memory_space<vmem>>, vector<1x6x32xf32>
    %swap3A_1470 = vector.shape_cast %swap3A_1469 : vector<1x6x32xf32> to vector<6x32xf32>
    %swap3A_1471 = vector.shape_cast %add3A_1466 : vector<6x32xf32> to vector<1x6x32xf32>
    tpu.vector_store %arg17[%swap3A, %swap3A_1467, %swap3A_1468], %swap3A_1471 {strides = array<i32>} : memref<1x6x32xf32, #tpu.memory_space<vmem>>, vector<1x6x32xf32>,
    return
  }
  func.func @transform_0(%arg0: i32) -> (i32, i32, i32) {
    %c0_i32 = arith.constant 0 : i32
    %c0_i32_0 = arith.constant 0 : i32
    %c0_i32_1 = arith.constant 0 : i32
    return %c0_i32, %arg0, %c0_i32_0 : i32, i32, i32
  }
  func.func @transform_1(%arg0: i32) -> (i32, i32, i32) {
    %c0_i32 = arith.constant 0 : i32
    %c0_i32_0 = arith.constant 0 : i32
    %c0_i32_1 = arith.constant 0 : i32
    return %c0_i32, %arg0, %c0_i32_0 : i32, i32, i32
  }
  func.func @transform_2(%arg0: i32) -> (i32, i32, i32, i32) {
    %c0_i32 = arith.constant 0 : i32
    %c0_i32_0 = arith.constant 0 : i32
    %c0_i32_1 = arith.constant 0 : i32
    %c0_i32_2 = arith.constant 0 : i32
    return %arg0, %c0_i32, %c0_i32_0, %c0_i32_1 : i32, i32, i32, i32
  }
  func.func @transform_3(%arg0: i32) -> (i32, i32, i32, i32) {
    %c0_i32 = arith.constant 0 : i32
    %c0_i32_0 = arith.constant 0 : i32
    %c0_i32_1 = arith.constant 0 : i32
    %c0_i32_2 = arith.constant 0 : i32
    return %arg0, %c0_i32, %c0_i32_0, %c0_i32_1 : i32, i32, i32, i32
  }
  func.func @transform_4(%arg0: i32) -> (i32, i32) {
    %c0_i32 = arith.constant 0 : i32
    %c0_i32_0 = arith.constant 0 : i32
    %c0_i32_1 = arith.constant 0 : i32
    return %c0_i32, %c0_i32_0 : i32, i32
  }
  func.func @transform_5(%arg0: i32) -> (i32, i32) {
    %c0_i32 = arith.constant 0 : i32
    %c0_i32_0 = arith.constant 0 : i32
    %c0_i32_1 = arith.constant 0 : i32
    return %c0_i32, %c0_i32_0 : i32, i32
  }
  func.func @transform_6(%arg0: i32) -> (i32, i32) {
    %c0_i32 = arith.constant 0 : i32
    %c0_i32_0 = arith.constant 0 : i32
    %c0_i32_1 = arith.constant 0 : i32
    return %c0_i32, %c0_i32_0 : i32, i32
  }
  func.func @transform_7(%arg0: i32) -> (i32, i32) {
    %c0_i32 = arith.constant 0 : i32
    %c0_i32_0 = arith.constant 0 : i32
    %c0_i32_1 = arith.constant 0 : i32
    return %c0_i32, %c0_i32_0 : i32, i32
  }
  func.func @transform_8(%arg0: i32) -> i32 {
    %c0_i32 = arith.constant 0 : i32
    %c0_i32_0 = arith.constant 0 : i32
    return %c0_i32 : i32
  }
  func.func @transform_9(%arg0: i32) -> i32 {
    %c0_i32 = arith.constant 0 : i32
    %c0_i32_0 = arith.constant 0 : i32
    return %c0_i32 : i32
  }
  func.func @transform_10(%arg0: i32) -> i32 {
    %c0_i32 = arith.constant 0 : i32
    %c0_i32_0 = arith.constant 0 : i32
    return %c0_i32 : i32
  }
  func.func @transform_11(%arg0: i32) -> i32 {
    %c0_i32 = arith.constant 0 : i32
    %c0_i32_0 = arith.constant 0 : i32
    return %c0_i32 : i32
  }
  func.func @transform_12(%arg0: i32) -> (i32, i32) {
    %c0_i32 = arith.constant 0 : i32
    %c0_i32_0 = arith.constant 0 : i32
    %c0_i32_1 = arith.constant 0 : i32
    return %c0_i32, %c0_i32_0 : i32, i32
  }
  func.func @transform_13(%arg0: i32) -> (i32, i32) {
    %c0_i32 = arith.constant 0 : i32
    %c0_i32_0 = arith.constant 0 : i32
    %c0_i32_1 = arith.constant 0 : i32
    return %c0_i32, %c0_i32_0 : i32, i32
  }
  func.func @transform_14(%arg0: i32) -> (i32, i32) {
    %c0_i32 = arith.constant 0 : i32
    %c0_i32_0 = arith.constant 0 : i32
    %c0_i32_1 = arith.constant 0 : i32
    return %c0_i32, %c0_i32_0 : i32, i32
  }
  func.func @transform_15(%arg0: i32) -> (i32, i32) {
    %c0_i32 = arith.constant 0 : i32
    %c0_i32_0 = arith.constant 0 : i32
    %c0_i32_1 = arith.constant 0 : i32
    return %c0_i32, %c0_i32_0 : i32, i32
  }
  func.func @transform_16(%arg0: i32) -> (i32, i32, i32) {
    %c0_i32 = arith.constant 0 : i32
    %c0_i32_0 = arith.constant 0 : i32
    %c0_i32_1 = arith.constant 0 : i32
    return %arg0, %c0_i32, %c0_i32_0 : i32, i32, i32
  }
}

</mosaic_0001>

<sc_bundles>
// kernel: kernel.4.cloned.1.call-start
scs
__scs_entry_jumppad:
0x0: {  	(pc) =	sbr.rel $0x88, $3  }
0x1: {  	(tag) =	ssettag $0x0;
	lr =	simm.s32 $0x1  }
0x2: {  	[smem:$0x3F92] =	sst lr;
	_ =	strace $0xD0000000  }
0x3: {  	_ = 	snop  }
0x4: {  	_ = 	snop  }
0x5: {  	_ = 	snop  }
0x6: {  	_ = 	snop  }
0x7: {  	_ = 	snop  }
__scs_overlays_trampoline_lowered:
0x8: {  	[smem:$0x3FA1] =	sst s0  }
0x9: {  	[smem:$0x3FA2] =	sst s1  }
0xa: {  	[smem:$0x3FA3] =	sst s2  }
0xb: {  	[smem:$0x3FA4] =	sst s3  }
0xc: {  	[smem:$0x3FA5] =	sst s4  }
0xd: {  	[smem:$0x3FA6] =	sst s5  }
0xe: {  	[smem:$0x3FA7] =	sst s6  }
0xf: {  	[smem:$0x3FA8] =	sst s7  }
0x10: {  	[smem:$0x3FA9] =	sst s8  }
0x11: {  	[smem:$0x3FAA] =	sst s9;
	s0 =	simm.s32 @!p0 $0x0  }
0x12: {  	s1 =	sld [smem:$0x3F90];
	s0 =	simm.s32 @p0 $0x1  }
0x13: {  	[smem:$0x3FAB] =	sst s0;
	s0 =	simm.s32 @!p1 $0x0  }
0x14: {  	s2 =	sld [smem:$0x3F8F];
	s0 =	simm.s32 @p1 $0x1  }
0x15: {  	[smem:$0x3FAC] =	sst s0;
	s0 =	simm.s32 @!p2 $0x0  }
0x16: {  	s3 =	sld [smem:$0x3FDB];
	s0 =	simm.s32 @p2 $0x1  }
0x17: {  	s4 =	simm.s32 $0x1BF5;
	[smem:$0x3FAE] =	sst s0  }
0x18: {  	s0 =	sld [smem:$0x3F91];
	_ =	swait.ge [sflag:s4], $0x0  }
0x19: {  	s7 =	sld [smem:$0x3F92]  }
0x1a: {  	s8 =	sadd.s32 $0xFFFFE003, lr  }
0x1b: {  	s9 =	sadd.s32 $0xFFFFFEF7, lr;
	s5 =	simm.s32 $0xFFFFFFFF;
	p2 =	slt.u32 s8, $0xFFFFF086  }
0x1c: {  	p1 =	slt.u32 s9, $0xF7A;
	s5 =	simm.s32 @!p2 $0x0  }
0x1d: {  	s5 =	simm.s32 @p1 $0x1;
	p0 =	seq.s32 s7, s2  }
0x1e: {  	s7 =	smul.u32 @!p0 $0xF7A, s2;
	p2 =	seq.s32 @!p0 s5, $0x0  }
0x1f: {  	s9 =	smul.u32 $0xF7A, s1;
	s8 =	simm.s32 @!p0 $0x1BF5;
	p2 =	por !p2, p0  }
0x20: {  	[sflag:s8] =	ssyncset.s32 @!p0 $0xFFFFF086;
	s6 =	sadd.s32 @!p0 s3, s7;
	s7 =	simm.s32 @!p0 $0x108  }
0x21: {  	s3 =	sadd.s32 s3, s9;
	s6 =	sadd.s32 @!p0 $0x88, s6;
	s7 =	simm.s32 @p2 $0x1082  }
0x22: {  	[simem:s7], [sflag:s8] =	dma.local @!p0 [hbm:s6], $0xF7A  }
0x23: {  	s9 =	sor.u32 $0xD0000000, s2;
	s6 =	simm.s32 $0x108;
	_ =	swait.ge @!p0 [sflag:s8], $0x0  }
0x24: {  	s3 =	sadd.s32 $0x88, s3;
	s6 =	simm.s32 @!p1 $0x1082;
	[sflag:s4] =	ssyncset.s32 $0xFFFFF086  }
0x25: {  	[simem:s6], [sflag:s4] =	dma.local [hbm:s3], $0xF7A  }
0x26: {  	[smem:$0x3F92] =	sst s1;
	(tag) =	ssettag s2;
	_ =	strace s9  }
0x27: {  	s1 =	sld [smem:$0x3FA2]  }
0x28: {  	s2 =	sld [smem:$0x3FA3]  }
0x29: {  	s4 =	sld [smem:$0x3FA5]  }
0x2a: {  	p0 =	seq.s32 s5, $0x0;
	s5 =	sld [smem:$0x3FA6]  }
0x2b: {  	s6 =	sld [smem:$0x3FA7]  }
0x2c: {  	s7 =	sld [smem:$0x3FA8]  }
0x2d: {  	s3 =	simm.s32 $0x108;
	s8 =	sld [smem:$0x3FA9]  }
0x2e: {  	s3 =	simm.s32 @!p0 $0x1082;
	s9 =	sld [smem:$0x3FAA]  }
0x2f: {  	lr =	sadd.s32 s0, s3;
	s0 =	sld [smem:$0x3FA1]  }
0x30: {  	s3 =	sld [smem:$0x3FA4]  }
0x31: {  	[smem:$0x3FAD] =	sst s10  }
0x32: {  	s10 =	sld [smem:$0x3FAB];
	_ =	sdelay $0x3  }
0x33: {  	p0 =	seq.s32 s10, $0x1;
	s10 =	sld [smem:$0x3FAD];
	_ =	sdelay $0x3  }
0x34: {  	[smem:$0x3FAD] =	sst s10  }
0x35: {  	s10 =	sld [smem:$0x3FAC];
	_ =	sdelay $0x3  }
0x36: {  	p1 =	seq.s32 s10, $0x1;
	s10 =	sld [smem:$0x3FAD];
	_ =	sdelay $0x3  }
0x37: {  	[smem:$0x3FAD] =	sst s10  }
0x38: {  	s10 =	sld [smem:$0x3FAE]  }
0x39: {  	_ = 	snop;
	(pc) =	sbr.ind lr, $3  }
0x3a: {  	_ = 	snop  }
0x3b: {  	_ = 	snop  }
0x3c: {  	p2 =	seq.s32 s10, $0x1;
	s10 =	sld [smem:$0x3FAD]  }
0x3d: {  	_ =	shalt  }
0x3e: {  	_ =	shalt  }
0x3f: {  	_ =	shalt  }
0x40: {  	_ =	shalt  }
0x41: {  	_ =	shalt  }
0x42: {  	_ =	shalt  }
0x43: {  	_ =	shalt  }
0x44: {  	_ =	shalt  }
0x45: {  	_ =	shalt  }
0x46: {  	_ =	shalt  }
0x47: {  	_ =	shalt  }
0x48: {  	_ =	shalt  }
0x49: {  	_ =	shalt  }
0x4a: {  	_ =	shalt  }
0x4b: {  	_ =	shalt  }
0x4c: {  	_ =	shalt  }
0x4d: {  	_ =	shalt  }
0x4e: {  	_ =	shalt  }
0x4f: {  	_ =	shalt  }
0x50: {  	_ =	shalt  }
0x51: {  	_ =	shalt  }
0x52: {  	_ =	shalt  }
0x53: {  	_ =	shalt  }
0x54: {  	_ =	shalt  }
0x55: {  	_ =	shalt  }
0x56: {  	_ =	shalt  }
0x57: {  	_ =	shalt  }
0x58: {  	_ =	shalt  }
0x59: {  	_ =	shalt  }
0x5a: {  	_ =	shalt  }
0x5b: {  	_ =	shalt  }
0x5c: {  	_ =	shalt  }
0x5d: {  	_ =	shalt  }
0x5e: {  	_ =	shalt  }
0x5f: {  	_ =	shalt  }
0x60: {  	_ =	shalt  }
0x61: {  	_ =	shalt  }
0x62: {  	_ =	shalt  }
0x63: {  	_ =	shalt  }
0x64: {  	_ =	shalt  }
0x65: {  	_ =	shalt  }
0x66: {  	_ =	shalt  }
0x67: {  	_ =	shalt  }
0x68: {  	_ =	shalt  }
0x69: {  	_ =	shalt  }
0x6a: {  	_ =	shalt  }
0x6b: {  	_ =	shalt  }
0x6c: {  	_ =	shalt  }
0x6d: {  	_ =	shalt  }
0x6e: {  	_ =	shalt  }
0x6f: {  	_ =	shalt  }
0x70: {  	_ =	shalt  }
0x71: {  	_ =	shalt  }
0x72: {  	_ =	shalt  }
0x73: {  	_ =	shalt  }
0x74: {  	_ =	shalt  }
0x75: {  	_ =	shalt  }
0x76: {  	_ =	shalt  }
0x77: {  	_ =	shalt  }
0x78: {  	_ =	shalt  }
0x79: {  	_ =	shalt  }
0x7a: {  	_ =	shalt  }
0x7b: {  	_ =	shalt  }
0x7c: {  	_ =	shalt  }
0x7d: {  	_ =	shalt  }
0x7e: {  	_ =	shalt  }
0x7f: {  	_ =	shalt  }
0x80: {  	_ =	shalt  }
0x81: {  	_ =	shalt  }
0x82: {  	_ =	shalt  }
0x83: {  	_ =	shalt  }
0x84: {  	_ =	shalt  }
0x85: {  	_ =	shalt  }
0x86: {  	_ =	shalt  }
0x87: {  	_ =	shalt  }
.Lfunc_end0:
.L_simem_size_0:
called_computation_lowered:
.L_overlay_start_0:
0x88: {  	s2 =	sld [smem:$0x3FD9]  }
0x89: {  	s3 =	sld [smem:$0x3FFE];
	_ =	sdelay $0x1  }
0x8a: {  	s1 =	srdreg.scid  }
0x8b: {  	s0 =	sand.u32 $0x1, s1  }
0x8c: {  	s17 =	sshll.u32 s0, $0xA;
	s2 =	sadd.s32 s3, s2  }
0x8d: {  	s2 =	sadd.s32 s2, s17  }
0x8e: {  	[smem:$0x3FB9] =	sst s2  }
0x8f: {  	_ = 	snop  }
0x90: {  	s2 =	sld [smem:$0x3FC7]  }
0x91: {  	s18 =	sld [smem:$0x3FD0];
	(tm) =	ssettm $0x1  }
0x92: {  	s4 =	sld [smem:$0x3FFB];
	_ =	sdelay $0x3  }
0x93: {  	_ =	strace s4  }
0x94: {  	s4 =	sld [smem:$0x3FFC];
	_ =	sdelay $0x3  }
0x95: {  	_ =	strace s4  }
0x96: {  	s4 =	sld [smem:$0x3FFD];
	_ =	sdelay $0x3  }
0x97: {  	_ =	strace s4  }
0x98: {  	_ =	strace $0x8FFFFFFF  }
0x99: {  	s19 =	sld [smem:$0x3FDB];
	_ =	sdelay $0x1  }
0x9a: {  	s5 =	simm.s32 $_scs_section_size  }
0x9b: {  	s6 =	simm.s32 $_size__tile_overlayer_lowered;
	s7 =	simm.s32 $_tile_overlayer_lowered  }
0x9c: {  	s22 =	simm.s32 $0x1BFF;
	s21 =	sshll.u32 s7, $0x1;
	s4 =	sadd.s32 s5, s19  }
0x9d: {  	s8 =	simm.s32 $0x0;
	s20 =	sshll.u32 s6, $0x1;
	s6 =	sadd.s32 s21, s4  }
0x9e: {  	[timem:s8], [sflag:s22] =	dma.local [hbm:s6], s20  }
0x9f: {  	_ =	swait.ge [sflag:s22], s20  }
0xa0: {  	s5 =	ssub.s32 $0x0, s20;
	[sflag:s22] =	ssyncset.done $0x0  }
0xa1: {  	[sflag:s22] =	ssyncadd.s32 s5;
	_ =	sdelay $0x1  }
0xa2: {  	s23 =	simm.s32 $0x1B8B  }
0xa3: {  	_ =	swait.ge [sflag:s23], $0x1  }
0xa4: {  	[sflag:s23] =	ssyncset.done $0x0  }
0xa5: {  	s25 =	simm.s32 $0x1B8E;
	s24 =	sld [smem:$0x3FFE];
	[sflag:s23] =	ssyncadd.s32 $0xFFFFFFFF  }
0xa6: {  	s26 =	simm.s32 $execute0_lowered;
	[smem:$0x3FD2] =	sst s25  }
0xa7: {  	s6 =	sshll.u32 s26, $0x1;
	_ =	strace $0x80000046;
	[dreg:$0x1] =	wrdreg $0xFFFFFFFF  }
0xa8: {  	s28 =	simm.s32 $_size_execute0_lowered;
	s4 =	sadd.s32 s4, s6;
	[dreg:$0x0] =	wrdreg $0x0  }
0xa9: {  	s6 =	sshll.u32 s28, $0x1;
	[dreg:$0x2] =	wrdreg s4  }
0xaa: {  	[dreg:$0x3] =	wrdreg s6  }
0xab: {  	[dreg:$0x4] =	wrdreg $0xC0  }
0xac: {  	_ =	task [dreg:s8], $0x5FFFF  }
0xad: {  	[dreg:$0x1] =	wrdreg $0xFFFFFFFF  }
0xae: {  	[dreg:$0x0] =	wrdreg $0x60  }
0xaf: {  	[dreg:$0x2] =	wrdreg s24  }
0xb0: {  	[dreg:$0x3] =	wrdreg s2  }
0xb1: {  	[dreg:$0x4] =	wrdreg s18  }
0xb2: {  	[dreg:$0x5] =	wrdreg $0x9  }
0xb3: {  	_ =	task.clear_ibuf [dreg:s8], $0x6FFFF;
	_ =	strace $0x90000046  }
0xb4: {  	s29 =	simm.s32 $0x9;
	_ =	strace $0x80000048  }
0xb5: {  	_ =	swait.ge [sflag:s29], $0x1  }
0xb6: {  	[sflag:s29] =	ssyncadd.s32 $0xFFFFFFFF  }
0xb7: {  	_ =	strace $0x90000048  }
0xb8: {  	_ =	sfence  }
0xb9: {  	s30 =	sld [smem:$0x0];
	_ =	sdelay $0x2  }
0xba: {  	s31 =	sshll.u32 s1, $0xD;
	s1 =	sshrl.u32 s1, $0x2  }
0xbb: {  	s3 =	sand.u32 $0x4000, s31;
	s1 =	sadd.s32 s1, s30  }
0xbc: {  	s0 =	sor.u32 s3, s0;
	s1 =	sshll.u32 s1, $0x11  }
0xbd: {  	s0 =	sor.u32 s1, s0  }
0xbe: {  	s0 =	sadd.s32 $0x8F2B, s0  }
0xbf: {  	[sflag:s0] =	ssyncadd.remote.s32 $0x1  }
0xc0: {  	_ =	sfence.sel $0xFFFF  }
0xc1: {  	[dreg:$0x0] =	wrdreg $0xFFFFFFFF;
	(pc) =	sbr.abs _section_cstart, $3  }
0xc2: {  	[dreg:$0x1] =	wrdreg $0xFFFFFFFF  }
0xc3: {  	_ =	task.clear_ibuf [dreg:s8], $0x2FFFF;
	_ =	strace $0x9FFFFFFF  }
0xc4: {  	(tm) =	ssettm $0x7FFFFFFF  }
0xc5: {  	_ =	shalt  }
tec
execute0_lowered:
.L_overlay_start_1:
0x0: {  	(tag) =	ssettag $0x1  }
0x1: {  	s5 =	rddreg [dreg:$0x0]  }
0x2: {  	s3 =	rddreg [dreg:$0x1]  }
0x3: {  	s1 =	srdreg.scid;
	s0 =	stileid.u32  }
0x4: {  	s14 =	rddreg [dreg:$0x2];
	s15 =	sand.u32 $0x1, s1;
	s4 =	sshll.u32 s0, $0x1  }
0x5: {  	s2 =	simm.s32 $0x0;
	s1 =	rddreg [dreg:$0x3];
	s16 =	sor.u32 s15, s4  }
0x6: {  	[smem:$0x7FF] =	sst s2;
	s4 =	sshll.u32 s16, $0x2  }
0x7: {  	_ =	strace $0x80000047;
	s4 =	sadd.s32 s3, s4;
	s3 =	simm.s32 $0x1  }
0x8: {  	[tilespmem:s2], [sflag:$0x1] =	stream.linear.gather [hbm4b:s4+s2], $0x20, $0x38;
	[tilespmem:$0xC100] =	vst v63  }
0x9: {  	s6 =	sshll.u32 s16, $0xC;
	_ =	swait.ge [sflag:s3], $0x20  }
0xa: {  	s13 =	sadd.s32 s6, s5;
	[sflag:s3] =	ssyncset.done $0x0  }
0xb: {  	s6 =	simm.s32 $0x80;
	s5 =	sadd.s32 $0x2800, s13;
	[sflag:s3] =	ssyncadd.s32 $0xFFFFFFE0  }
0xc: {  	v3 =	vld [tilespmem:$0x0];
	[tilespmem:s6], [sflag:$0x1] =	stream.linear.gather [hbm4b:s5+s2], $0x4000, $0x38  }
0xd: {  	_ =	swait.ge [sflag:s3], $0x4000  }
0xe: {  	[sflag:s3] =	ssyncset.done $0x0  }
0xf: {  	s8 =	simm.s32 $0x4080;
	s7 =	sadd.s32 $0x22800, s13;
	[sflag:s3] =	ssyncadd.s32 $0xFFFFC000  }
0x10: {  	v0 =	vlaneseq.u32;
	[tilespmem:s8], [sflag:$0x1] =	stream.linear.gather [hbm4b:s7+s2], $0x4000, $0x38;
	[tilespmem:$0xC100] =	vst v63  }
0x11: {  	v0 =	vmul.u32 $0x400, v0;
	_ =	swait.ge [sflag:s3], $0x4000  }
0x12: {  	[sflag:s3] =	ssyncset.done $0x0  }
0x13: {  	s10 =	simm.s32 $0x8080;
	s9 =	sadd.s32 $0x42800, s13;
	v2 =	vadd.s32 v0, v3;
	[sflag:s3] =	ssyncadd.s32 $0xFFFFC000  }
0x14: {  	[tilespmem:s10], [sflag:$0x1] =	stream.linear.gather [hbm4b:s9+s2], $0x4000, $0x38;
	[tilespmem:$0xC100] =	vst v63  }
0x15: {  	_ =	swait.ge [sflag:s3], $0x4000  }
0x16: {  	[sflag:s3] =	ssyncset.done $0x0  }
0x17: {  	[sflag:s3] =	ssyncadd.s32 $0xFFFFC000  }
0x18: {  	v1 =	vor.u32 $0x4000, v0;
	v2 =	vld.idx.msk [tilespmem:v2+s6+$0x0], $0xffff  }
0x19: {  	v4 =	vadd.s32 v1, v3;
	_ =	sdelay $0x3  }
0x1a: {  	[tilespmem:$0xC080] =	vst v2  }
0x1b: {  	v2 =	vor.u32 $0x8000, v0;
	v4 =	vld.idx.msk [tilespmem:v4+s6+$0x0], $0xffff  }
0x1c: {  	v3 =	vadd.s32 v2, v3;
	_ =	sdelay $0x3  }
0x1d: {  	[tilespmem:$0xC0A0] =	vst v4  }
0x1e: {  	v3 =	vld.idx.msk [tilespmem:v3+s6+$0x0], $0xffff;
	_ =	sdelay $0x4  }
0x1f: {  	s11 =	sadd.s32 $0x3000, s13;
	[tilespmem:$0xC0C0] =	vst v3  }
0x20: {  	v63 =	vld [tilespmem:$0x10];
	[tilespmem:s6], [sflag:$0x1] =	stream.linear.gather [hbm4b:s11+s2], $0x4000, $0x38  }
0x21: {  	_ =	swait.ge [sflag:s3], $0x4000  }
0x22: {  	[sflag:s3] =	ssyncset.done $0x0  }
0x23: {  	s12 =	sadd.s32 $0x23000, s13;
	[sflag:s3] =	ssyncadd.s32 $0xFFFFC000  }
0x24: {  	[tilespmem:s8], [sflag:$0x1] =	stream.linear.gather [hbm4b:s12+s2], $0x4000, $0x38;
	[tilespmem:$0xC100] =	vst v63  }
0x25: {  	_ =	swait.ge [sflag:s3], $0x4000  }
0x26: {  	[sflag:s3] =	ssyncset.done $0x0  }
0x27: {  	s13 =	sadd.s32 $0x43000, s13;
	v3 =	vadd.s32 v0, v63;
	[sflag:s3] =	ssyncadd.s32 $0xFFFFC000  }
0x28: {  	[tilespmem:s10], [sflag:$0x1] =	stream.linear.gather [hbm4b:s13+s2], $0x4000, $0x38;
	[tilespmem:$0xC100] =	vst v63  }
0x29: {  	_ =	swait.ge [sflag:s3], $0x4000  }
0x2a: {  	[sflag:s3] =	ssyncset.done $0x0  }
0x2b: {  	[sflag:s3] =	ssyncadd.s32 $0xFFFFC000  }
0x2c: {  	v3 =	vld.idx.msk [tilespmem:v3+s6+$0x0], $0xffff  }
0x2d: {  	v5 =	vadd.s32 v1, v63;
	_ =	sdelay $0x3  }
0x2e: {  	[tilespmem:$0xC090] =	vst v3  }
0x2f: {  	v3 =	vld.idx.msk [tilespmem:v5+s6+$0x0], $0xffff  }
0x30: {  	v4 =	vadd.s32 v2, v63;
	_ =	sdelay $0x3  }
0x31: {  	s15 =	ssub.s32 $0x2, s15;
	[tilespmem:$0xC0B0] =	vst v3  }
0x32: {  	s17 =	sshrl.u32 s15, $0x1;
	v3 =	vld.idx.msk [tilespmem:v4+s6+$0x0], $0xffff  }
0x33: {  	s15 =	ssub.s32 s15, s17  }
0x34: {  	s31 =	smax.u32 s15, $0x1  }
0x35: {  	s16 =	smul.u32 $0xC, s16;
	p0 =	sne.s32 s31, $0x1  }
.Ltmp0:
0x36: {  	_ = 	snop;
	(pc) =	sbr.rel @!p0 .LBB2_2-.Ltmp0, $4  }
0x37: {  	s14 =	sadd.s32 s14, s16;
	s15 =	simm.s32 $0xC080;
	[tilespmem:$0xC0D0] =	vst v3  }
0x38: {  	[hbm4b:s14+s2] =	stream.linear.scatter [tilespmem:s15], [sflag:$0x1], $0x60, $0x38;
	[tilespmem:$0xC100] =	vst v63  }
0x39: {  	_ =	swait.ge [sflag:s3], $0x60  }
0x3a: {  	s16 =	sadd.s32 $0xFFFFFFFF, s31;
	[sflag:s3] =	ssyncset.done $0x0  }
.LBB2_1:
0x3b: {  	p0 =	sne.s32 s16, $0x1;
	s16 =	sadd.s32 $0xFFFFFFFF, s16;
	[sflag:s3] =	ssyncadd.s32 $0xFFFFFFA0  }
0x3c: {  	[tilespmem:s2], [sflag:$0x1] =	stream.linear.gather [hbm4b:s4+s2], $0x20, $0x38;
	[tilespmem:$0xC100] =	vst v63  }
0x3d: {  	_ =	swait.ge [sflag:s3], $0x20  }
0x3e: {  	[sflag:s3] =	ssyncset.done $0x0  }
0x3f: {  	[sflag:s3] =	ssyncadd.s32 $0xFFFFFFE0  }
0x40: {  	v3 =	vld [tilespmem:$0x0]  }
0x41: {  	[tilespmem:s6], [sflag:$0x1] =	stream.linear.gather [hbm4b:s5+s2], $0x4000, $0x38;
	[tilespmem:$0xC100] =	vst v63  }
0x42: {  	_ =	swait.ge [sflag:s3], $0x4000  }
0x43: {  	[sflag:s3] =	ssyncset.done $0x0  }
0x44: {  	[sflag:s3] =	ssyncadd.s32 $0xFFFFC000  }
0x45: {  	[tilespmem:s8], [sflag:$0x1] =	stream.linear.gather [hbm4b:s7+s2], $0x4000, $0x38;
	[tilespmem:$0xC100] =	vst v63  }
0x46: {  	_ =	swait.ge [sflag:s3], $0x4000  }
0x47: {  	[sflag:s3] =	ssyncset.done $0x0  }
0x48: {  	v4 =	vadd.s32 v0, v3;
	[sflag:s3] =	ssyncadd.s32 $0xFFFFC000  }
0x49: {  	[tilespmem:s10], [sflag:$0x1] =	stream.linear.gather [hbm4b:s9+s2], $0x4000, $0x38;
	[tilespmem:$0xC100] =	vst v63  }
0x4a: {  	_ =	swait.ge [sflag:s3], $0x4000  }
0x4b: {  	[sflag:s3] =	ssyncset.done $0x0  }
0x4c: {  	[sflag:s3] =	ssyncadd.s32 $0xFFFFC000  }
0x4d: {  	v4 =	vld.idx.msk [tilespmem:v4+s6+$0x0], $0xffff  }
0x4e: {  	v5 =	vld [tilespmem:$0x10]  }
0x4f: {  	v6 =	vadd.s32 v1, v3;
	_ =	sdelay $0x3  }
0x50: {  	[tilespmem:$0xC080] =	vst v4  }
0x51: {  	v4 =	vld.idx.msk [tilespmem:v6+s6+$0x0], $0xffff;
	_ =	sdelay $0x1  }
0x52: {  	v3 =	vadd.s32 v2, v3;
	_ =	sdelay $0x3  }
0x53: {  	[tilespmem:$0xC0A0] =	vst v4  }
0x54: {  	v3 =	vld.idx.msk [tilespmem:v3+s6+$0x0], $0xffff;
	_ =	sdelay $0x5  }
0x55: {  	[tilespmem:$0xC0C0] =	vst v3  }
0x56: {  	[tilespmem:s6], [sflag:$0x1] =	stream.linear.gather [hbm4b:s11+s2], $0x4000, $0x38;
	[tilespmem:$0xC100] =	vst v63  }
0x57: {  	_ =	swait.ge [sflag:s3], $0x4000  }
0x58: {  	[sflag:s3] =	ssyncset.done $0x0  }
0x59: {  	[sflag:s3] =	ssyncadd.s32 $0xFFFFC000  }
0x5a: {  	[tilespmem:s8], [sflag:$0x1] =	stream.linear.gather [hbm4b:s12+s2], $0x4000, $0x38;
	[tilespmem:$0xC100] =	vst v63  }
0x5b: {  	_ =	swait.ge [sflag:s3], $0x4000  }
0x5c: {  	[sflag:s3] =	ssyncset.done $0x0  }
0x5d: {  	v3 =	vadd.s32 v0, v5;
	[sflag:s3] =	ssyncadd.s32 $0xFFFFC000  }
0x5e: {  	[tilespmem:s10], [sflag:$0x1] =	stream.linear.gather [hbm4b:s13+s2], $0x4000, $0x38;
	[tilespmem:$0xC100] =	vst v63  }
0x5f: {  	_ =	swait.ge [sflag:s3], $0x4000  }
0x60: {  	[sflag:s3] =	ssyncset.done $0x0  }
0x61: {  	[sflag:s3] =	ssyncadd.s32 $0xFFFFC000  }
0x62: {  	v3 =	vld.idx.msk [tilespmem:v3+s6+$0x0], $0xffff;
	_ =	sdelay $0x1  }
0x63: {  	v4 =	vadd.s32 v1, v5;
	_ =	sdelay $0x3  }
0x64: {  	[tilespmem:$0xC090] =	vst v3  }
0x65: {  	v3 =	vld.idx.msk [tilespmem:v4+s6+$0x0], $0xffff;
	_ =	sdelay $0x1  }
0x66: {  	v4 =	vadd.s32 v2, v5;
	_ =	sdelay $0x3  }
0x67: {  	[tilespmem:$0xC0B0] =	vst v3  }
0x68: {  	v3 =	vld.idx.msk [tilespmem:v4+s6+$0x0], $0xffff;
	_ =	sdelay $0x4  }
.Ltmp1:
0x69: {  	(pc) =	sbr.rel @p0 .LBB2_1-.Ltmp1, $4  }
0x6a: {  	[tilespmem:$0xC0D0] =	vst v3  }
0x6b: {  	[hbm4b:s14+s2] =	stream.linear.scatter [tilespmem:s15], [sflag:$0x1], $0x60, $0x38;
	[tilespmem:$0xC100] =	vst v63  }
0x6c: {  	_ =	swait.ge [sflag:s3], $0x60  }
0x6d: {  	[sflag:s3] =	ssyncset.done $0x0  }
.LBB2_2:
0x6e: {  	[sflag:s3] =	ssyncadd.s32 $0xFFFFFFA0  }
0x6f: {  	_ =	sfence.sel $0x180000  }
0x70: {  	[bflag:$0x0] =	sbarrier.arrive $0xFFFF  }
0x71: {  	p0 =	sne.s32 s0, $0x0;
	_ =	strace $0x90000047  }
0x72: {  	s0 =	sadd.s32 @!p0 $0x100000, s1;
	[bflag:$0x2] =	sbarrier.arrive $0xFFFF  }
0x73: {  	[sflag:s0] =	ssyncadd.tile.s32 @!p0 $0x1;
	_ =	shalt  }
.Lfunc_end2:
_tile_overlayer_lowered:
.L_overlay_start_2:
0x74: {  	(tag) =	ssettag $0x2  }
0x75: {  	s0 =	rddreg [dreg:$0x0];
	s2 =	stileid.u32  }
0x76: {  	s1 =	rddreg [dreg:$0x1];
	p0 =	sne.s32 s2, $0x0  }
0x77: {  	s3 =	rddreg [dreg:$0x2];
	[bflag:$0x3] =	sbarrier.arrive $0xFFFF;
	s2 =	simm.s32 @!p0 $0x1C01  }
0x78: {  	[timem:s3], [sflag:s2] =	dma.local @!p0 [hbm:s0], s1  }
0x79: {  	s0 =	simm.s32 @!p0 $0x1  }
0x7a: {  	_ =	swait.ge @!p0 [sflag:s0], s1  }
0x7b: {  	s1 =	ssub.s32 @!p0 $0x0, s1;
	[sflag:s0] =	ssyncset.done @!p0 $0x0  }
0x7c: {  	[sflag:s0] =	ssyncadd.s32 @!p0 s1  }
0x7d: {  	[bflag:$0x3] =	sbarrier.arrive $0xFFFF  }
0x7e: {  	_ =	shalt  }

</sc_bundles>
